<compile_context>
chip_gen: v7x
topology: tpu7x:2x2x1
jax: 0.10.2.dev20260603
libtpu: 0.0.44.dev20260713+nightly
codegen_flags: <defaults>
</compile_context>

<pallas_src>
import functools

import jax
import jax.numpy as jnp
from jax import lax
from jax.experimental import pallas as pl
from jax.experimental.pallas import tpu as pltpu
from jax.experimental.pallas import tpu_sc as plsc

NUM = 1024
D = 64
H_DIM = 64
E = 16384
MAIN = 16
LANES = 16

NC, NS = 2, 16
NW = NC * NS
ROWS = 32
CHUNKS = E // LANES


def _build_counts(edge_index):
    mesh = plsc.VectorSubcoreMesh(core_axis_name="c", subcore_axis_name="s")

    @functools.partial(
        pl.kernel,
        mesh=mesh,
        out_type=jax.ShapeDtypeStruct((NUM, NUM), jnp.float32),
        compiler_params=pltpu.CompilerParams(needs_layout_passes=False),
        scratch_types=[
            pltpu.VMEM((E,), jnp.int32),
            pltpu.VMEM((E,), jnp.int32),
            pltpu.VMEM((ROWS, NUM), jnp.float32),
        ],
    )
    def sc_kernel(edge_hbm, out_hbm, src_v, dst_v, blk_v):
        wid = lax.axis_index("s") * NC + lax.axis_index("c")
        pltpu.sync_copy(edge_hbm.at[0], src_v)
        pltpu.sync_copy(edge_hbm.at[1], dst_v)
        ones = jnp.full((LANES,), 1.0, jnp.float32)
        zeros = jnp.zeros((LANES,), jnp.float32)
        base = wid * ROWS
        UN = 8

        def zero_body(i, carry):
            for u in range(NUM // (LANES * UN)):
                for v in range(UN):
                    blk_v[i, pl.ds((u * UN + v) * LANES, LANES)] = zeros
            return carry

        lax.fori_loop(0, ROWS, zero_body, 0)

        UNE = 16

        def edge_body(i, carry):
            for u in range(UNE):
                off = (i * UNE + u) * LANES
                d16 = dst_v[pl.ds(off, LANES)]
                s16 = src_v[pl.ds(off, LANES)]
                m = (d16 >= base) & (d16 < base + ROWS)
                plsc.addupdate_scatter(blk_v, [d16 - base, s16], ones, mask=m)
            return carry

        lax.fori_loop(0, CHUNKS // UNE, edge_body, 0)

        pltpu.sync_copy(blk_v, out_hbm.at[pl.ds(base, ROWS)])

    return sc_kernel(edge_index)


def _forward_body(x_ref, emb_ref, w1_ref, b1_ref, w2_ref, b2_ref,
                  w3_ref, b3_ref, c_ref, out_ref):
    G = x_ref.shape[0]
    W = G * H_DIM
    NB = 8
    S = NB * H_DIM
    Cm = c_ref[...]
    deg = jnp.sum(Cm, axis=1)
    dinv = jnp.where(deg > 0, lax.rsqrt(jnp.maximum(deg, 1e-12)), 0.0)
    dcol = dinv[:, None]
    xtb = x_ref[...].T

    def mm(a, b):
        return jnp.dot(a, b, preferred_element_type=jnp.float32)

    rep = (lax.broadcasted_iota(jnp.int32, (G, W), 1) // H_DIM
           == lax.broadcasted_iota(jnp.int32, (G, W), 0)).astype(jnp.float32)
    xe = mm(xtb, rep)
    ew1 = mm(emb_ref[...], jnp.tile(w1_ref[...], (1, G)))
    s1 = xe * ew1 * dcol
    h1 = mm(Cm, s1) * dcol + jnp.tile(b1_ref[...], G)[None, :]
    h1 = jnp.maximum(h1, 0.0)
    bmask = (lax.broadcasted_iota(jnp.int32, (S, S), 0) // H_DIM
             == lax.broadcasted_iota(jnp.int32, (S, S), 1) // H_DIM)
    bd2 = jnp.where(bmask, jnp.tile(w2_ref[...], (NB, NB)), 0.0)
    t2 = [mm(h1[:, i * S:(i + 1) * S], bd2) for i in range(W // S)]
    s2 = jnp.concatenate(t2, axis=1) * dcol
    h2 = mm(Cm, s2) * dcol + jnp.tile(b2_ref[...], G)[None, :]
    h2 = jnp.maximum(h2, 0.0)
    k3 = jnp.where(
        lax.broadcasted_iota(jnp.int32, (W, G), 0) // H_DIM
        == lax.broadcasted_iota(jnp.int32, (W, G), 1),
        jnp.tile(w3_ref[...], (G, 1)), 0.0)
    s3 = mm(h2, k3) * dcol
    logits = mm(Cm, s3) * dcol + b3_ref[0]
    sm = logits[:MAIN, :]
    mx = jnp.max(sm, axis=0, keepdims=True)
    ex = jnp.exp(sm - mx)
    smx = ex / jnp.sum(ex, axis=0, keepdims=True)
    sig = 1.0 / (1.0 + jnp.exp(-logits[MAIN:, :]))
    out_ref[...] = jnp.concatenate([smx, sig], axis=0).T


def _forward(x, embedding, W1, b1, W2, b2, W3, b3, C):
    B = x.shape[0]
    return pl.pallas_call(
        _forward_body,
        out_shape=jax.ShapeDtypeStruct((B, NUM), jnp.float32),
    )(x, embedding, W1, b1, W2, b2, W3, b3, C)


def kernel(x, embedding, W1, b1, W2, b2, W3, b3, edge_index):
    C = _build_counts(edge_index)
    return _forward(x, embedding, W1, b1, W2, b2, W3, b3, C)

# --- scband reference (transcript-rebuilt; emitter-appended) ---
"""Pipeline reference for scband-mln-gcn-31585189495115 (READ-ONLY COPY).

The authoritative reference and input builder live on the scoring server;
editing this copy changes nothing except your own understanding.
"""

import jax, jax.numpy as jnp
import numpy as np

B = 64       # batch of graphs
NUM = 1024   # predicates (nodes) per graph == gt_matrix.shape[1]
D = 64       # embedding_dim
H = 64       # hidden_dim
E = 16384    # edges per graph (avg degree 16)
MAIN = 16    # num main classes -> softmax over [0:16), sigmoid elsewhere


def setup_inputs(seed: int = 0) -> dict:
    key = jax.random.key(seed)
    ks = jax.random.split(key, 10)
    x = jax.random.uniform(ks[0], (B, NUM), dtype=jnp.float32)
    edge_index = jax.random.randint(ks[1], (2, E), 0, NUM, dtype=jnp.int32)
    # kaiming_uniform_(embedding, nonlinearity='relu'): bound = sqrt(2) * sqrt(3 / fan_in)
    bound = float(np.sqrt(6.0 / D))
    embedding = jax.random.uniform(ks[2], (NUM, D), minval=-bound, maxval=bound, dtype=jnp.float32)
    W1 = jax.random.normal(ks[3], (D, H), dtype=jnp.float32) * (1.0 / np.sqrt(D))
    b1 = jnp.zeros((H,), dtype=jnp.float32)
    W2 = jax.random.normal(ks[4], (H, H), dtype=jnp.float32) * (1.0 / np.sqrt(H))
    b2 = jnp.zeros((H,), dtype=jnp.float32)
    W3 = jax.random.normal(ks[5], (H, 1), dtype=jnp.float32) * (1.0 / np.sqrt(H))
    b3 = jnp.zeros((1,), dtype=jnp.float32)
    return {"x": x, "embedding": embedding, "W1": W1, "b1": b1,
            "W2": W2, "b2": b2, "W3": W3, "b3": b3, "edge_index": edge_index}


def gcn_conv(h, src, dst, W, b, N):
    # PyG GCNConv, add_self_loops=False, edge_weight=1:
    # deg computed on dst; norm = deg^-1/2[src] * deg^-1/2[dst]
    h = h @ W
    deg = jnp.zeros((N,), dtype=h.dtype).at[dst].add(1.0)
    dinv = jnp.where(deg > 0, jax.lax.rsqrt(jnp.maximum(deg, 1e-12)), 0.0)
    norm = dinv[src] * dinv[dst]
    msg = jnp.take(h, src, axis=0) * norm[:, None]
    out = jnp.zeros((N, h.shape[1]), dtype=h.dtype).at[dst].add(msg)
    return out + b


def reference(x, embedding, W1, b1, W2, b2, W3, b3, edge_index):
    Bn, num = x.shape
    N = Bn * num
    # batched block-diagonal edge index (get_edge_index with offsets)
    offs = jnp.arange(Bn, dtype=edge_index.dtype) * num
    src = (edge_index[0][None, :] + offs[:, None]).reshape(-1)
    dst = (edge_index[1][None, :] + offs[:, None]).reshape(-1)
    # x.reshape(-1, num, 1) * embedding -> (B*num, D)
    h = (x.reshape(Bn, num, 1) * embedding[None, :, :]).reshape(N, -1)
    h = jax.nn.relu(gcn_conv(h, src, dst, W1, b1, N))
    h = jax.nn.relu(gcn_conv(h, src, dst, W2, b2, N))
    logits = gcn_conv(h, src, dst, W3, b3, N).reshape(Bn, num)
    # convert_to_confidence: softmax on [0:MAIN), sigmoid on the rest
    phi = jnp.concatenate([jax.nn.softmax(logits[:, :MAIN], axis=1),
                           jax.nn.sigmoid(logits[:, MAIN:])], axis=1)
    return phi

if __name__ == "__main__":
    import jax
    _d = setup_inputs()
    print(jax.jit(kernel)(*tuple(_d.values())))

</pallas_src>

<mosaic_0001>
#map = affine_map<(d0, d1) -> (0, 0)>
module attributes {stable_mosaic.version = 14 : i64} {
  func.func @sc_kernel(%arg0: i32, %arg1: i32, %arg2: memref<2x16384xi32, #tpu.memory_space<hbm>>, %arg3: memref<1024x1024xf32, #tpu.memory_space<hbm>>, %arg4: memref<16384xi32, #tpu.memory_space<vmem>>, %arg5: memref<16384xi32, #tpu.memory_space<vmem>>, %arg6: memref<32x1024xf32, #tpu.memory_space<vmem>>) attributes {dimension_semantics = [#tpu.dimension_semantics<core_parallel>, #tpu.dimension_semantics<subcore_parallel>], iteration_bounds = array<i64: 2, 16>, scalar_prefetch = 0 : i64, scratch_operands = 3 : i64, tpu.core_type = #tpu.core_type<sc_vector_subcore>, window_params = [{transform_indices = #map}, {transform_indices = #map}]} {
    %mul3A = arith.constant 2 : i32
    %mul3A_0 = arith.muli %arg1, %mul3A : i32
    %add3A = arith.addi %mul3A_0, %arg0 : i32
    %run_scoped3A = arith.constant 0 : i32
    "tpu.region"() ({
      %run_scoped3A_18 = tpu.sem_alloc : memref<!tpu.dma_semaphore, #tpu.memory_space<semaphore_mem>>
      %dma_start3A = arith.constant 0 : i32
      %dma_start3A_19 = tpu.memref_slice %arg2[%run_scoped3A, %dma_start3A] : memref<2x16384xi32, #tpu.memory_space<hbm>> -> memref<1x16384xi32, #tpu.memory_space<hbm>>
      %dma_start3A_20 = tpu.memref_squeeze %dma_start3A_19 : memref<1x16384xi32, #tpu.memory_space<hbm>> -> memref<16384xi32, #tpu.memory_space<hbm>>
      %dma_start3A_21 = arith.constant 0 : i32
      %dma_start3A_22 = tpu.memref_slice %arg2[%run_scoped3A, %dma_start3A_21] : memref<2x16384xi32, #tpu.memory_space<hbm>> -> memref<1x16384xi32, #tpu.memory_space<hbm>>
      %dma_start3A_23 = tpu.memref_squeeze %dma_start3A_22 : memref<1x16384xi32, #tpu.memory_space<hbm>> -> memref<16384xi32, #tpu.memory_space<hbm>>
      tpu.enqueue_dma source(%dma_start3A_23 : memref<16384xi32, #tpu.memory_space<hbm>>) target(%arg4 : memref<16384xi32, #tpu.memory_space<vmem>>) target_semaphore(%run_scoped3A_18 : memref<!tpu.dma_semaphore, #tpu.memory_space<semaphore_mem>>)
      %dma_wait3A = arith.constant 0 : i32
      %dma_wait3A_24 = tpu.memref_slice %arg2[%run_scoped3A, %dma_wait3A] : memref<2x16384xi32, #tpu.memory_space<hbm>> -> memref<1x16384xi32, #tpu.memory_space<hbm>>
      %dma_wait3A_25 = tpu.memref_squeeze %dma_wait3A_24 : memref<1x16384xi32, #tpu.memory_space<hbm>> -> memref<16384xi32, #tpu.memory_space<hbm>>
      %dma_wait3A_26 = arith.constant 0 : i32
      %dma_wait3A_27 = tpu.memref_slice %arg2[%run_scoped3A, %dma_wait3A_26] : memref<2x16384xi32, #tpu.memory_space<hbm>> -> memref<1x16384xi32, #tpu.memory_space<hbm>>
      %dma_wait3A_28 = tpu.memref_squeeze %dma_wait3A_27 : memref<1x16384xi32, #tpu.memory_space<hbm>> -> memref<16384xi32, #tpu.memory_space<hbm>>
      tpu.wait_dma2 semaphore(%run_scoped3A_18 : memref<!tpu.dma_semaphore, #tpu.memory_space<semaphore_mem>>) src(%dma_wait3A_28 : memref<16384xi32, #tpu.memory_space<hbm>>) dst(%arg4 : memref<16384xi32, #tpu.memory_space<vmem>>)
      tpu.yield
    }) : () -> ()
    %run_scoped3A_1 = arith.constant 1 : i32
    "tpu.region"() ({
      %run_scoped3A_18 = tpu.sem_alloc : memref<!tpu.dma_semaphore, #tpu.memory_space<semaphore_mem>>
      %dma_start3A = arith.constant 0 : i32
      %dma_start3A_19 = tpu.memref_slice %arg2[%run_scoped3A_1, %dma_start3A] : memref<2x16384xi32, #tpu.memory_space<hbm>> -> memref<1x16384xi32, #tpu.memory_space<hbm>>
      %dma_start3A_20 = tpu.memref_squeeze %dma_start3A_19 : memref<1x16384xi32, #tpu.memory_space<hbm>> -> memref<16384xi32, #tpu.memory_space<hbm>>
      %dma_start3A_21 = arith.constant 0 : i32
      %dma_start3A_22 = tpu.memref_slice %arg2[%run_scoped3A_1, %dma_start3A_21] : memref<2x16384xi32, #tpu.memory_space<hbm>> -> memref<1x16384xi32, #tpu.memory_space<hbm>>
      %dma_start3A_23 = tpu.memref_squeeze %dma_start3A_22 : memref<1x16384xi32, #tpu.memory_space<hbm>> -> memref<16384xi32, #tpu.memory_space<hbm>>
      tpu.enqueue_dma source(%dma_start3A_23 : memref<16384xi32, #tpu.memory_space<hbm>>) target(%arg5 : memref<16384xi32, #tpu.memory_space<vmem>>) target_semaphore(%run_scoped3A_18 : memref<!tpu.dma_semaphore, #tpu.memory_space<semaphore_mem>>)
      %dma_wait3A = arith.constant 0 : i32
      %dma_wait3A_24 = tpu.memref_slice %arg2[%run_scoped3A_1, %dma_wait3A] : memref<2x16384xi32, #tpu.memory_space<hbm>> -> memref<1x16384xi32, #tpu.memory_space<hbm>>
      %dma_wait3A_25 = tpu.memref_squeeze %dma_wait3A_24 : memref<1x16384xi32, #tpu.memory_space<hbm>> -> memref<16384xi32, #tpu.memory_space<hbm>>
      %dma_wait3A_26 = arith.constant 0 : i32
      %dma_wait3A_27 = tpu.memref_slice %arg2[%run_scoped3A_1, %dma_wait3A_26] : memref<2x16384xi32, #tpu.memory_space<hbm>> -> memref<1x16384xi32, #tpu.memory_space<hbm>>
      %dma_wait3A_28 = tpu.memref_squeeze %dma_wait3A_27 : memref<1x16384xi32, #tpu.memory_space<hbm>> -> memref<16384xi32, #tpu.memory_space<hbm>>
      tpu.wait_dma2 semaphore(%run_scoped3A_18 : memref<!tpu.dma_semaphore, #tpu.memory_space<semaphore_mem>>) src(%dma_wait3A_28 : memref<16384xi32, #tpu.memory_space<hbm>>) dst(%arg5 : memref<16384xi32, #tpu.memory_space<vmem>>)
      tpu.yield
    }) : () -> ()
    %broadcast_in_dim3A = arith.constant 1.000000e+00 : f32
    %broadcast_in_dim3A_2 = vector.broadcast %broadcast_in_dim3A : f32 to vector<16xf32>
    %broadcast_in_dim3A_3 = arith.constant 0.000000e+00 : f32
    %broadcast_in_dim3A_4 = vector.broadcast %broadcast_in_dim3A_3 : f32 to vector<16xf32>
    %mul3A_5 = arith.constant 32 : i32
    %mul3A_6 = arith.muli %add3A, %mul3A_5 : i32
    %scan3A = arith.constant 0 : i32
    %scan3A_7 = arith.constant 0 : i32
    %scan3A_8 = arith.constant 32 : i32
    %scan3A_9 = arith.addi %scan3A_7, %scan3A_8 : i32
    %scan3A_10 = arith.constant 1 : i32
    scf.for %scan3A_18 = %scan3A_7 to %scan3A_9 step %scan3A_10  : i32 {
      %swap3A = arith.index_cast %scan3A_18 : i32 to index
      %swap3A_19 = arith.constant 0 : index
      %swap3A_20 = tpu.vector_load %arg6[%swap3A, %swap3A_19] {strides = array<i32>} : memref<32x1024xf32, #tpu.memory_space<vmem>>, vector<16xf32>,
      tpu.vector_store %arg6[%swap3A, %swap3A_19], %broadcast_in_dim3A_4 {strides = array<i32>} : memref<32x1024xf32, #tpu.memory_space<vmem>>, vector<16xf32>,
      %swap3A_21 = arith.index_cast %scan3A_18 : i32 to index
      %swap3A_22 = arith.constant 16 : index
      %swap3A_23 = tpu.vector_load %arg6[%swap3A_21, %swap3A_22] {strides = array<i32>} : memref<32x1024xf32, #tpu.memory_space<vmem>>, vector<16xf32>,
      tpu.vector_store %arg6[%swap3A_21, %swap3A_22], %broadcast_in_dim3A_4 {strides = array<i32>} : memref<32x1024xf32, #tpu.memory_space<vmem>>, vector<16xf32>,
      %swap3A_24 = arith.index_cast %scan3A_18 : i32 to index
      %swap3A_25 = arith.constant 32 : index
      %swap3A_26 = tpu.vector_load %arg6[%swap3A_24, %swap3A_25] {strides = array<i32>} : memref<32x1024xf32, #tpu.memory_space<vmem>>, vector<16xf32>,
      tpu.vector_store %arg6[%swap3A_24, %swap3A_25], %broadcast_in_dim3A_4 {strides = array<i32>} : memref<32x1024xf32, #tpu.memory_space<vmem>>, vector<16xf32>,
      %swap3A_27 = arith.index_cast %scan3A_18 : i32 to index
      %swap3A_28 = arith.constant 48 : index
      %swap3A_29 = tpu.vector_load %arg6[%swap3A_27, %swap3A_28] {strides = array<i32>} : memref<32x1024xf32, #tpu.memory_space<vmem>>, vector<16xf32>,
      tpu.vector_store %arg6[%swap3A_27, %swap3A_28], %broadcast_in_dim3A_4 {strides = array<i32>} : memref<32x1024xf32, #tpu.memory_space<vmem>>, vector<16xf32>,
      %swap3A_30 = arith.index_cast %scan3A_18 : i32 to index
      %swap3A_31 = arith.constant 64 : index
      %swap3A_32 = tpu.vector_load %arg6[%swap3A_30, %swap3A_31] {strides = array<i32>} : memref<32x1024xf32, #tpu.memory_space<vmem>>, vector<16xf32>,
      tpu.vector_store %arg6[%swap3A_30, %swap3A_31], %broadcast_in_dim3A_4 {strides = array<i32>} : memref<32x1024xf32, #tpu.memory_space<vmem>>, vector<16xf32>,
      %swap3A_33 = arith.index_cast %scan3A_18 : i32 to index
      %swap3A_34 = arith.constant 80 : index
      %swap3A_35 = tpu.vector_load %arg6[%swap3A_33, %swap3A_34] {strides = array<i32>} : memref<32x1024xf32, #tpu.memory_space<vmem>>, vector<16xf32>,
      tpu.vector_store %arg6[%swap3A_33, %swap3A_34], %broadcast_in_dim3A_4 {strides = array<i32>} : memref<32x1024xf32, #tpu.memory_space<vmem>>, vector<16xf32>,
      %swap3A_36 = arith.index_cast %scan3A_18 : i32 to index
      %swap3A_37 = arith.constant 96 : index
      %swap3A_38 = tpu.vector_load %arg6[%swap3A_36, %swap3A_37] {strides = array<i32>} : memref<32x1024xf32, #tpu.memory_space<vmem>>, vector<16xf32>,
      tpu.vector_store %arg6[%swap3A_36, %swap3A_37], %broadcast_in_dim3A_4 {strides = array<i32>} : memref<32x1024xf32, #tpu.memory_space<vmem>>, vector<16xf32>,
      %swap3A_39 = arith.index_cast %scan3A_18 : i32 to index
      %swap3A_40 = arith.constant 112 : index
      %swap3A_41 = tpu.vector_load %arg6[%swap3A_39, %swap3A_40] {strides = array<i32>} : memref<32x1024xf32, #tpu.memory_space<vmem>>, vector<16xf32>,
      tpu.vector_store %arg6[%swap3A_39, %swap3A_40], %broadcast_in_dim3A_4 {strides = array<i32>} : memref<32x1024xf32, #tpu.memory_space<vmem>>, vector<16xf32>,
      %swap3A_42 = arith.index_cast %scan3A_18 : i32 to index
      %swap3A_43 = arith.constant 128 : index
      %swap3A_44 = tpu.vector_load %arg6[%swap3A_42, %swap3A_43] {strides = array<i32>} : memref<32x1024xf32, #tpu.memory_space<vmem>>, vector<16xf32>,
      tpu.vector_store %arg6[%swap3A_42, %swap3A_43], %broadcast_in_dim3A_4 {strides = array<i32>} : memref<32x1024xf32, #tpu.memory_space<vmem>>, vector<16xf32>,
      %swap3A_45 = arith.index_cast %scan3A_18 : i32 to index
      %swap3A_46 = arith.constant 144 : index
      %swap3A_47 = tpu.vector_load %arg6[%swap3A_45, %swap3A_46] {strides = array<i32>} : memref<32x1024xf32, #tpu.memory_space<vmem>>, vector<16xf32>,
      tpu.vector_store %arg6[%swap3A_45, %swap3A_46], %broadcast_in_dim3A_4 {strides = array<i32>} : memref<32x1024xf32, #tpu.memory_space<vmem>>, vector<16xf32>,
      %swap3A_48 = arith.index_cast %scan3A_18 : i32 to index
      %swap3A_49 = arith.constant 160 : index
      %swap3A_50 = tpu.vector_load %arg6[%swap3A_48, %swap3A_49] {strides = array<i32>} : memref<32x1024xf32, #tpu.memory_space<vmem>>, vector<16xf32>,
      tpu.vector_store %arg6[%swap3A_48, %swap3A_49], %broadcast_in_dim3A_4 {strides = array<i32>} : memref<32x1024xf32, #tpu.memory_space<vmem>>, vector<16xf32>,
      %swap3A_51 = arith.index_cast %scan3A_18 : i32 to index
      %swap3A_52 = arith.constant 176 : index
      %swap3A_53 = tpu.vector_load %arg6[%swap3A_51, %swap3A_52] {strides = array<i32>} : memref<32x1024xf32, #tpu.memory_space<vmem>>, vector<16xf32>,
      tpu.vector_store %arg6[%swap3A_51, %swap3A_52], %broadcast_in_dim3A_4 {strides = array<i32>} : memref<32x1024xf32, #tpu.memory_space<vmem>>, vector<16xf32>,
      %swap3A_54 = arith.index_cast %scan3A_18 : i32 to index
      %swap3A_55 = arith.constant 192 : index
      %swap3A_56 = tpu.vector_load %arg6[%swap3A_54, %swap3A_55] {strides = array<i32>} : memref<32x1024xf32, #tpu.memory_space<vmem>>, vector<16xf32>,
      tpu.vector_store %arg6[%swap3A_54, %swap3A_55], %broadcast_in_dim3A_4 {strides = array<i32>} : memref<32x1024xf32, #tpu.memory_space<vmem>>, vector<16xf32>,
      %swap3A_57 = arith.index_cast %scan3A_18 : i32 to index
      %swap3A_58 = arith.constant 208 : index
      %swap3A_59 = tpu.vector_load %arg6[%swap3A_57, %swap3A_58] {strides = array<i32>} : memref<32x1024xf32, #tpu.memory_space<vmem>>, vector<16xf32>,
      tpu.vector_store %arg6[%swap3A_57, %swap3A_58], %broadcast_in_dim3A_4 {strides = array<i32>} : memref<32x1024xf32, #tpu.memory_space<vmem>>, vector<16xf32>,
      %swap3A_60 = arith.index_cast %scan3A_18 : i32 to index
      %swap3A_61 = arith.constant 224 : index
      %swap3A_62 = tpu.vector_load %arg6[%swap3A_60, %swap3A_61] {strides = array<i32>} : memref<32x1024xf32, #tpu.memory_space<vmem>>, vector<16xf32>,
      tpu.vector_store %arg6[%swap3A_60, %swap3A_61], %broadcast_in_dim3A_4 {strides = array<i32>} : memref<32x1024xf32, #tpu.memory_space<vmem>>, vector<16xf32>,
      %swap3A_63 = arith.index_cast %scan3A_18 : i32 to index
      %swap3A_64 = arith.constant 240 : index
      %swap3A_65 = tpu.vector_load %arg6[%swap3A_63, %swap3A_64] {strides = array<i32>} : memref<32x1024xf32, #tpu.memory_space<vmem>>, vector<16xf32>,
      tpu.vector_store %arg6[%swap3A_63, %swap3A_64], %broadcast_in_dim3A_4 {strides = array<i32>} : memref<32x1024xf32, #tpu.memory_space<vmem>>, vector<16xf32>,
      %swap3A_66 = arith.index_cast %scan3A_18 : i32 to index
      %swap3A_67 = arith.constant 256 : index
      %swap3A_68 = tpu.vector_load %arg6[%swap3A_66, %swap3A_67] {strides = array<i32>} : memref<32x1024xf32, #tpu.memory_space<vmem>>, vector<16xf32>,
      tpu.vector_store %arg6[%swap3A_66, %swap3A_67], %broadcast_in_dim3A_4 {strides = array<i32>} : memref<32x1024xf32, #tpu.memory_space<vmem>>, vector<16xf32>,
      %swap3A_69 = arith.index_cast %scan3A_18 : i32 to index
      %swap3A_70 = arith.constant 272 : index
      %swap3A_71 = tpu.vector_load %arg6[%swap3A_69, %swap3A_70] {strides = array<i32>} : memref<32x1024xf32, #tpu.memory_space<vmem>>, vector<16xf32>,
      tpu.vector_store %arg6[%swap3A_69, %swap3A_70], %broadcast_in_dim3A_4 {strides = array<i32>} : memref<32x1024xf32, #tpu.memory_space<vmem>>, vector<16xf32>,
      %swap3A_72 = arith.index_cast %scan3A_18 : i32 to index
      %swap3A_73 = arith.constant 288 : index
      %swap3A_74 = tpu.vector_load %arg6[%swap3A_72, %swap3A_73] {strides = array<i32>} : memref<32x1024xf32, #tpu.memory_space<vmem>>, vector<16xf32>,
      tpu.vector_store %arg6[%swap3A_72, %swap3A_73], %broadcast_in_dim3A_4 {strides = array<i32>} : memref<32x1024xf32, #tpu.memory_space<vmem>>, vector<16xf32>,
      %swap3A_75 = arith.index_cast %scan3A_18 : i32 to index
      %swap3A_76 = arith.constant 304 : index
      %swap3A_77 = tpu.vector_load %arg6[%swap3A_75, %swap3A_76] {strides = array<i32>} : memref<32x1024xf32, #tpu.memory_space<vmem>>, vector<16xf32>,
      tpu.vector_store %arg6[%swap3A_75, %swap3A_76], %broadcast_in_dim3A_4 {strides = array<i32>} : memref<32x1024xf32, #tpu.memory_space<vmem>>, vector<16xf32>,
      %swap3A_78 = arith.index_cast %scan3A_18 : i32 to index
      %swap3A_79 = arith.constant 320 : index
      %swap3A_80 = tpu.vector_load %arg6[%swap3A_78, %swap3A_79] {strides = array<i32>} : memref<32x1024xf32, #tpu.memory_space<vmem>>, vector<16xf32>,
      tpu.vector_store %arg6[%swap3A_78, %swap3A_79], %broadcast_in_dim3A_4 {strides = array<i32>} : memref<32x1024xf32, #tpu.memory_space<vmem>>, vector<16xf32>,
      %swap3A_81 = arith.index_cast %scan3A_18 : i32 to index
      %swap3A_82 = arith.constant 336 : index
      %swap3A_83 = tpu.vector_load %arg6[%swap3A_81, %swap3A_82] {strides = array<i32>} : memref<32x1024xf32, #tpu.memory_space<vmem>>, vector<16xf32>,
      tpu.vector_store %arg6[%swap3A_81, %swap3A_82], %broadcast_in_dim3A_4 {strides = array<i32>} : memref<32x1024xf32, #tpu.memory_space<vmem>>, vector<16xf32>,
      %swap3A_84 = arith.index_cast %scan3A_18 : i32 to index
      %swap3A_85 = arith.constant 352 : index
      %swap3A_86 = tpu.vector_load %arg6[%swap3A_84, %swap3A_85] {strides = array<i32>} : memref<32x1024xf32, #tpu.memory_space<vmem>>, vector<16xf32>,
      tpu.vector_store %arg6[%swap3A_84, %swap3A_85], %broadcast_in_dim3A_4 {strides = array<i32>} : memref<32x1024xf32, #tpu.memory_space<vmem>>, vector<16xf32>,
      %swap3A_87 = arith.index_cast %scan3A_18 : i32 to index
      %swap3A_88 = arith.constant 368 : index
      %swap3A_89 = tpu.vector_load %arg6[%swap3A_87, %swap3A_88] {strides = array<i32>} : memref<32x1024xf32, #tpu.memory_space<vmem>>, vector<16xf32>,
      tpu.vector_store %arg6[%swap3A_87, %swap3A_88], %broadcast_in_dim3A_4 {strides = array<i32>} : memref<32x1024xf32, #tpu.memory_space<vmem>>, vector<16xf32>,
      %swap3A_90 = arith.index_cast %scan3A_18 : i32 to index
      %swap3A_91 = arith.constant 384 : index
      %swap3A_92 = tpu.vector_load %arg6[%swap3A_90, %swap3A_91] {strides = array<i32>} : memref<32x1024xf32, #tpu.memory_space<vmem>>, vector<16xf32>,
      tpu.vector_store %arg6[%swap3A_90, %swap3A_91], %broadcast_in_dim3A_4 {strides = array<i32>} : memref<32x1024xf32, #tpu.memory_space<vmem>>, vector<16xf32>,
      %swap3A_93 = arith.index_cast %scan3A_18 : i32 to index
      %swap3A_94 = arith.constant 400 : index
      %swap3A_95 = tpu.vector_load %arg6[%swap3A_93, %swap3A_94] {strides = array<i32>} : memref<32x1024xf32, #tpu.memory_space<vmem>>, vector<16xf32>,
      tpu.vector_store %arg6[%swap3A_93, %swap3A_94], %broadcast_in_dim3A_4 {strides = array<i32>} : memref<32x1024xf32, #tpu.memory_space<vmem>>, vector<16xf32>,
      %swap3A_96 = arith.index_cast %scan3A_18 : i32 to index
      %swap3A_97 = arith.constant 416 : index
      %swap3A_98 = tpu.vector_load %arg6[%swap3A_96, %swap3A_97] {strides = array<i32>} : memref<32x1024xf32, #tpu.memory_space<vmem>>, vector<16xf32>,
      tpu.vector_store %arg6[%swap3A_96, %swap3A_97], %broadcast_in_dim3A_4 {strides = array<i32>} : memref<32x1024xf32, #tpu.memory_space<vmem>>, vector<16xf32>,
      %swap3A_99 = arith.index_cast %scan3A_18 : i32 to index
      %swap3A_100 = arith.constant 432 : index
      %swap3A_101 = tpu.vector_load %arg6[%swap3A_99, %swap3A_100] {strides = array<i32>} : memref<32x1024xf32, #tpu.memory_space<vmem>>, vector<16xf32>,
      tpu.vector_store %arg6[%swap3A_99, %swap3A_100], %broadcast_in_dim3A_4 {strides = array<i32>} : memref<32x1024xf32, #tpu.memory_space<vmem>>, vector<16xf32>,
      %swap3A_102 = arith.index_cast %scan3A_18 : i32 to index
      %swap3A_103 = arith.constant 448 : index
      %swap3A_104 = tpu.vector_load %arg6[%swap3A_102, %swap3A_103] {strides = array<i32>} : memref<32x1024xf32, #tpu.memory_space<vmem>>, vector<16xf32>,
      tpu.vector_store %arg6[%swap3A_102, %swap3A_103], %broadcast_in_dim3A_4 {strides = array<i32>} : memref<32x1024xf32, #tpu.memory_space<vmem>>, vector<16xf32>,
      %swap3A_105 = arith.index_cast %scan3A_18 : i32 to index
      %swap3A_106 = arith.constant 464 : index
      %swap3A_107 = tpu.vector_load %arg6[%swap3A_105, %swap3A_106] {strides = array<i32>} : memref<32x1024xf32, #tpu.memory_space<vmem>>, vector<16xf32>,
      tpu.vector_store %arg6[%swap3A_105, %swap3A_106], %broadcast_in_dim3A_4 {strides = array<i32>} : memref<32x1024xf32, #tpu.memory_space<vmem>>, vector<16xf32>,
      %swap3A_108 = arith.index_cast %scan3A_18 : i32 to index
      %swap3A_109 = arith.constant 480 : index
      %swap3A_110 = tpu.vector_load %arg6[%swap3A_108, %swap3A_109] {strides = array<i32>} : memref<32x1024xf32, #tpu.memory_space<vmem>>, vector<16xf32>,
      tpu.vector_store %arg6[%swap3A_108, %swap3A_109], %broadcast_in_dim3A_4 {strides = array<i32>} : memref<32x1024xf32, #tpu.memory_space<vmem>>, vector<16xf32>,
      %swap3A_111 = arith.index_cast %scan3A_18 : i32 to index
      %swap3A_112 = arith.constant 496 : index
      %swap3A_113 = tpu.vector_load %arg6[%swap3A_111, %swap3A_112] {strides = array<i32>} : memref<32x1024xf32, #tpu.memory_space<vmem>>, vector<16xf32>,
      tpu.vector_store %arg6[%swap3A_111, %swap3A_112], %broadcast_in_dim3A_4 {strides = array<i32>} : memref<32x1024xf32, #tpu.memory_space<vmem>>, vector<16xf32>,
      %swap3A_114 = arith.index_cast %scan3A_18 : i32 to index
      %swap3A_115 = arith.constant 512 : index
      %swap3A_116 = tpu.vector_load %arg6[%swap3A_114, %swap3A_115] {strides = array<i32>} : memref<32x1024xf32, #tpu.memory_space<vmem>>, vector<16xf32>,
      tpu.vector_store %arg6[%swap3A_114, %swap3A_115], %broadcast_in_dim3A_4 {strides = array<i32>} : memref<32x1024xf32, #tpu.memory_space<vmem>>, vector<16xf32>,
      %swap3A_117 = arith.index_cast %scan3A_18 : i32 to index
      %swap3A_118 = arith.constant 528 : index
      %swap3A_119 = tpu.vector_load %arg6[%swap3A_117, %swap3A_118] {strides = array<i32>} : memref<32x1024xf32, #tpu.memory_space<vmem>>, vector<16xf32>,
      tpu.vector_store %arg6[%swap3A_117, %swap3A_118], %broadcast_in_dim3A_4 {strides = array<i32>} : memref<32x1024xf32, #tpu.memory_space<vmem>>, vector<16xf32>,
      %swap3A_120 = arith.index_cast %scan3A_18 : i32 to index
      %swap3A_121 = arith.constant 544 : index
      %swap3A_122 = tpu.vector_load %arg6[%swap3A_120, %swap3A_121] {strides = array<i32>} : memref<32x1024xf32, #tpu.memory_space<vmem>>, vector<16xf32>,
      tpu.vector_store %arg6[%swap3A_120, %swap3A_121], %broadcast_in_dim3A_4 {strides = array<i32>} : memref<32x1024xf32, #tpu.memory_space<vmem>>, vector<16xf32>,
      %swap3A_123 = arith.index_cast %scan3A_18 : i32 to index
      %swap3A_124 = arith.constant 560 : index
      %swap3A_125 = tpu.vector_load %arg6[%swap3A_123, %swap3A_124] {strides = array<i32>} : memref<32x1024xf32, #tpu.memory_space<vmem>>, vector<16xf32>,
      tpu.vector_store %arg6[%swap3A_123, %swap3A_124], %broadcast_in_dim3A_4 {strides = array<i32>} : memref<32x1024xf32, #tpu.memory_space<vmem>>, vector<16xf32>,
      %swap3A_126 = arith.index_cast %scan3A_18 : i32 to index
      %swap3A_127 = arith.constant 576 : index
      %swap3A_128 = tpu.vector_load %arg6[%swap3A_126, %swap3A_127] {strides = array<i32>} : memref<32x1024xf32, #tpu.memory_space<vmem>>, vector<16xf32>,
      tpu.vector_store %arg6[%swap3A_126, %swap3A_127], %broadcast_in_dim3A_4 {strides = array<i32>} : memref<32x1024xf32, #tpu.memory_space<vmem>>, vector<16xf32>,
      %swap3A_129 = arith.index_cast %scan3A_18 : i32 to index
      %swap3A_130 = arith.constant 592 : index
      %swap3A_131 = tpu.vector_load %arg6[%swap3A_129, %swap3A_130] {strides = array<i32>} : memref<32x1024xf32, #tpu.memory_space<vmem>>, vector<16xf32>,
      tpu.vector_store %arg6[%swap3A_129, %swap3A_130], %broadcast_in_dim3A_4 {strides = array<i32>} : memref<32x1024xf32, #tpu.memory_space<vmem>>, vector<16xf32>,
      %swap3A_132 = arith.index_cast %scan3A_18 : i32 to index
      %swap3A_133 = arith.constant 608 : index
      %swap3A_134 = tpu.vector_load %arg6[%swap3A_132, %swap3A_133] {strides = array<i32>} : memref<32x1024xf32, #tpu.memory_space<vmem>>, vector<16xf32>,
      tpu.vector_store %arg6[%swap3A_132, %swap3A_133], %broadcast_in_dim3A_4 {strides = array<i32>} : memref<32x1024xf32, #tpu.memory_space<vmem>>, vector<16xf32>,
      %swap3A_135 = arith.index_cast %scan3A_18 : i32 to index
      %swap3A_136 = arith.constant 624 : index
      %swap3A_137 = tpu.vector_load %arg6[%swap3A_135, %swap3A_136] {strides = array<i32>} : memref<32x1024xf32, #tpu.memory_space<vmem>>, vector<16xf32>,
      tpu.vector_store %arg6[%swap3A_135, %swap3A_136], %broadcast_in_dim3A_4 {strides = array<i32>} : memref<32x1024xf32, #tpu.memory_space<vmem>>, vector<16xf32>,
      %swap3A_138 = arith.index_cast %scan3A_18 : i32 to index
      %swap3A_139 = arith.constant 640 : index
      %swap3A_140 = tpu.vector_load %arg6[%swap3A_138, %swap3A_139] {strides = array<i32>} : memref<32x1024xf32, #tpu.memory_space<vmem>>, vector<16xf32>,
      tpu.vector_store %arg6[%swap3A_138, %swap3A_139], %broadcast_in_dim3A_4 {strides = array<i32>} : memref<32x1024xf32, #tpu.memory_space<vmem>>, vector<16xf32>,
      %swap3A_141 = arith.index_cast %scan3A_18 : i32 to index
      %swap3A_142 = arith.constant 656 : index
      %swap3A_143 = tpu.vector_load %arg6[%swap3A_141, %swap3A_142] {strides = array<i32>} : memref<32x1024xf32, #tpu.memory_space<vmem>>, vector<16xf32>,
      tpu.vector_store %arg6[%swap3A_141, %swap3A_142], %broadcast_in_dim3A_4 {strides = array<i32>} : memref<32x1024xf32, #tpu.memory_space<vmem>>, vector<16xf32>,
      %swap3A_144 = arith.index_cast %scan3A_18 : i32 to index
      %swap3A_145 = arith.constant 672 : index
      %swap3A_146 = tpu.vector_load %arg6[%swap3A_144, %swap3A_145] {strides = array<i32>} : memref<32x1024xf32, #tpu.memory_space<vmem>>, vector<16xf32>,
      tpu.vector_store %arg6[%swap3A_144, %swap3A_145], %broadcast_in_dim3A_4 {strides = array<i32>} : memref<32x1024xf32, #tpu.memory_space<vmem>>, vector<16xf32>,
      %swap3A_147 = arith.index_cast %scan3A_18 : i32 to index
      %swap3A_148 = arith.constant 688 : index
      %swap3A_149 = tpu.vector_load %arg6[%swap3A_147, %swap3A_148] {strides = array<i32>} : memref<32x1024xf32, #tpu.memory_space<vmem>>, vector<16xf32>,
      tpu.vector_store %arg6[%swap3A_147, %swap3A_148], %broadcast_in_dim3A_4 {strides = array<i32>} : memref<32x1024xf32, #tpu.memory_space<vmem>>, vector<16xf32>,
      %swap3A_150 = arith.index_cast %scan3A_18 : i32 to index
      %swap3A_151 = arith.constant 704 : index
      %swap3A_152 = tpu.vector_load %arg6[%swap3A_150, %swap3A_151] {strides = array<i32>} : memref<32x1024xf32, #tpu.memory_space<vmem>>, vector<16xf32>,
      tpu.vector_store %arg6[%swap3A_150, %swap3A_151], %broadcast_in_dim3A_4 {strides = array<i32>} : memref<32x1024xf32, #tpu.memory_space<vmem>>, vector<16xf32>,
      %swap3A_153 = arith.index_cast %scan3A_18 : i32 to index
      %swap3A_154 = arith.constant 720 : index
      %swap3A_155 = tpu.vector_load %arg6[%swap3A_153, %swap3A_154] {strides = array<i32>} : memref<32x1024xf32, #tpu.memory_space<vmem>>, vector<16xf32>,
      tpu.vector_store %arg6[%swap3A_153, %swap3A_154], %broadcast_in_dim3A_4 {strides = array<i32>} : memref<32x1024xf32, #tpu.memory_space<vmem>>, vector<16xf32>,
      %swap3A_156 = arith.index_cast %scan3A_18 : i32 to index
      %swap3A_157 = arith.constant 736 : index
      %swap3A_158 = tpu.vector_load %arg6[%swap3A_156, %swap3A_157] {strides = array<i32>} : memref<32x1024xf32, #tpu.memory_space<vmem>>, vector<16xf32>,
      tpu.vector_store %arg6[%swap3A_156, %swap3A_157], %broadcast_in_dim3A_4 {strides = array<i32>} : memref<32x1024xf32, #tpu.memory_space<vmem>>, vector<16xf32>,
      %swap3A_159 = arith.index_cast %scan3A_18 : i32 to index
      %swap3A_160 = arith.constant 752 : index
      %swap3A_161 = tpu.vector_load %arg6[%swap3A_159, %swap3A_160] {strides = array<i32>} : memref<32x1024xf32, #tpu.memory_space<vmem>>, vector<16xf32>,
      tpu.vector_store %arg6[%swap3A_159, %swap3A_160], %broadcast_in_dim3A_4 {strides = array<i32>} : memref<32x1024xf32, #tpu.memory_space<vmem>>, vector<16xf32>,
      %swap3A_162 = arith.index_cast %scan3A_18 : i32 to index
      %swap3A_163 = arith.constant 768 : index
      %swap3A_164 = tpu.vector_load %arg6[%swap3A_162, %swap3A_163] {strides = array<i32>} : memref<32x1024xf32, #tpu.memory_space<vmem>>, vector<16xf32>,
      tpu.vector_store %arg6[%swap3A_162, %swap3A_163], %broadcast_in_dim3A_4 {strides = array<i32>} : memref<32x1024xf32, #tpu.memory_space<vmem>>, vector<16xf32>,
      %swap3A_165 = arith.index_cast %scan3A_18 : i32 to index
      %swap3A_166 = arith.constant 784 : index
      %swap3A_167 = tpu.vector_load %arg6[%swap3A_165, %swap3A_166] {strides = array<i32>} : memref<32x1024xf32, #tpu.memory_space<vmem>>, vector<16xf32>,
      tpu.vector_store %arg6[%swap3A_165, %swap3A_166], %broadcast_in_dim3A_4 {strides = array<i32>} : memref<32x1024xf32, #tpu.memory_space<vmem>>, vector<16xf32>,
      %swap3A_168 = arith.index_cast %scan3A_18 : i32 to index
      %swap3A_169 = arith.constant 800 : index
      %swap3A_170 = tpu.vector_load %arg6[%swap3A_168, %swap3A_169] {strides = array<i32>} : memref<32x1024xf32, #tpu.memory_space<vmem>>, vector<16xf32>,
      tpu.vector_store %arg6[%swap3A_168, %swap3A_169], %broadcast_in_dim3A_4 {strides = array<i32>} : memref<32x1024xf32, #tpu.memory_space<vmem>>, vector<16xf32>,
      %swap3A_171 = arith.index_cast %scan3A_18 : i32 to index
      %swap3A_172 = arith.constant 816 : index
      %swap3A_173 = tpu.vector_load %arg6[%swap3A_171, %swap3A_172] {strides = array<i32>} : memref<32x1024xf32, #tpu.memory_space<vmem>>, vector<16xf32>,
      tpu.vector_store %arg6[%swap3A_171, %swap3A_172], %broadcast_in_dim3A_4 {strides = array<i32>} : memref<32x1024xf32, #tpu.memory_space<vmem>>, vector<16xf32>,
      %swap3A_174 = arith.index_cast %scan3A_18 : i32 to index
      %swap3A_175 = arith.constant 832 : index
      %swap3A_176 = tpu.vector_load %arg6[%swap3A_174, %swap3A_175] {strides = array<i32>} : memref<32x1024xf32, #tpu.memory_space<vmem>>, vector<16xf32>,
      tpu.vector_store %arg6[%swap3A_174, %swap3A_175], %broadcast_in_dim3A_4 {strides = array<i32>} : memref<32x1024xf32, #tpu.memory_space<vmem>>, vector<16xf32>,
      %swap3A_177 = arith.index_cast %scan3A_18 : i32 to index
      %swap3A_178 = arith.constant 848 : index
      %swap3A_179 = tpu.vector_load %arg6[%swap3A_177, %swap3A_178] {strides = array<i32>} : memref<32x1024xf32, #tpu.memory_space<vmem>>, vector<16xf32>,
      tpu.vector_store %arg6[%swap3A_177, %swap3A_178], %broadcast_in_dim3A_4 {strides = array<i32>} : memref<32x1024xf32, #tpu.memory_space<vmem>>, vector<16xf32>,
      %swap3A_180 = arith.index_cast %scan3A_18 : i32 to index
      %swap3A_181 = arith.constant 864 : index
      %swap3A_182 = tpu.vector_load %arg6[%swap3A_180, %swap3A_181] {strides = array<i32>} : memref<32x1024xf32, #tpu.memory_space<vmem>>, vector<16xf32>,
      tpu.vector_store %arg6[%swap3A_180, %swap3A_181], %broadcast_in_dim3A_4 {strides = array<i32>} : memref<32x1024xf32, #tpu.memory_space<vmem>>, vector<16xf32>,
      %swap3A_183 = arith.index_cast %scan3A_18 : i32 to index
      %swap3A_184 = arith.constant 880 : index
      %swap3A_185 = tpu.vector_load %arg6[%swap3A_183, %swap3A_184] {strides = array<i32>} : memref<32x1024xf32, #tpu.memory_space<vmem>>, vector<16xf32>,
      tpu.vector_store %arg6[%swap3A_183, %swap3A_184], %broadcast_in_dim3A_4 {strides = array<i32>} : memref<32x1024xf32, #tpu.memory_space<vmem>>, vector<16xf32>,
      %swap3A_186 = arith.index_cast %scan3A_18 : i32 to index
      %swap3A_187 = arith.constant 896 : index
      %swap3A_188 = tpu.vector_load %arg6[%swap3A_186, %swap3A_187] {strides = array<i32>} : memref<32x1024xf32, #tpu.memory_space<vmem>>, vector<16xf32>,
      tpu.vector_store %arg6[%swap3A_186, %swap3A_187], %broadcast_in_dim3A_4 {strides = array<i32>} : memref<32x1024xf32, #tpu.memory_space<vmem>>, vector<16xf32>,
      %swap3A_189 = arith.index_cast %scan3A_18 : i32 to index
      %swap3A_190 = arith.constant 912 : index
      %swap3A_191 = tpu.vector_load %arg6[%swap3A_189, %swap3A_190] {strides = array<i32>} : memref<32x1024xf32, #tpu.memory_space<vmem>>, vector<16xf32>,
      tpu.vector_store %arg6[%swap3A_189, %swap3A_190], %broadcast_in_dim3A_4 {strides = array<i32>} : memref<32x1024xf32, #tpu.memory_space<vmem>>, vector<16xf32>,
      %swap3A_192 = arith.index_cast %scan3A_18 : i32 to index
      %swap3A_193 = arith.constant 928 : index
      %swap3A_194 = tpu.vector_load %arg6[%swap3A_192, %swap3A_193] {strides = array<i32>} : memref<32x1024xf32, #tpu.memory_space<vmem>>, vector<16xf32>,
      tpu.vector_store %arg6[%swap3A_192, %swap3A_193], %broadcast_in_dim3A_4 {strides = array<i32>} : memref<32x1024xf32, #tpu.memory_space<vmem>>, vector<16xf32>,
      %swap3A_195 = arith.index_cast %scan3A_18 : i32 to index
      %swap3A_196 = arith.constant 944 : index
      %swap3A_197 = tpu.vector_load %arg6[%swap3A_195, %swap3A_196] {strides = array<i32>} : memref<32x1024xf32, #tpu.memory_space<vmem>>, vector<16xf32>,
      tpu.vector_store %arg6[%swap3A_195, %swap3A_196], %broadcast_in_dim3A_4 {strides = array<i32>} : memref<32x1024xf32, #tpu.memory_space<vmem>>, vector<16xf32>,
      %swap3A_198 = arith.index_cast %scan3A_18 : i32 to index
      %swap3A_199 = arith.constant 960 : index
      %swap3A_200 = tpu.vector_load %arg6[%swap3A_198, %swap3A_199] {strides = array<i32>} : memref<32x1024xf32, #tpu.memory_space<vmem>>, vector<16xf32>,
      tpu.vector_store %arg6[%swap3A_198, %swap3A_199], %broadcast_in_dim3A_4 {strides = array<i32>} : memref<32x1024xf32, #tpu.memory_space<vmem>>, vector<16xf32>,
      %swap3A_201 = arith.index_cast %scan3A_18 : i32 to index
      %swap3A_202 = arith.constant 976 : index
      %swap3A_203 = tpu.vector_load %arg6[%swap3A_201, %swap3A_202] {strides = array<i32>} : memref<32x1024xf32, #tpu.memory_space<vmem>>, vector<16xf32>,
      tpu.vector_store %arg6[%swap3A_201, %swap3A_202], %broadcast_in_dim3A_4 {strides = array<i32>} : memref<32x1024xf32, #tpu.memory_space<vmem>>, vector<16xf32>,
      %swap3A_204 = arith.index_cast %scan3A_18 : i32 to index
      %swap3A_205 = arith.constant 992 : index
      %swap3A_206 = tpu.vector_load %arg6[%swap3A_204, %swap3A_205] {strides = array<i32>} : memref<32x1024xf32, #tpu.memory_space<vmem>>, vector<16xf32>,
      tpu.vector_store %arg6[%swap3A_204, %swap3A_205], %broadcast_in_dim3A_4 {strides = array<i32>} : memref<32x1024xf32, #tpu.memory_space<vmem>>, vector<16xf32>,
      %swap3A_207 = arith.index_cast %scan3A_18 : i32 to index
      %swap3A_208 = arith.constant 1008 : index
      %swap3A_209 = tpu.vector_load %arg6[%swap3A_207, %swap3A_208] {strides = array<i32>} : memref<32x1024xf32, #tpu.memory_space<vmem>>, vector<16xf32>,
      tpu.vector_store %arg6[%swap3A_207, %swap3A_208], %broadcast_in_dim3A_4 {strides = array<i32>} : memref<32x1024xf32, #tpu.memory_space<vmem>>, vector<16xf32>,
    }
    %scan3A_11 = arith.constant 32 : i32
    %scan3A_12 = arith.constant 0 : i32
    %scan3A_13 = arith.constant 0 : i32
    %scan3A_14 = arith.constant 64 : i32
    %scan3A_15 = arith.addi %scan3A_13, %scan3A_14 : i32
    %scan3A_16 = arith.constant 1 : i32
    scf.for %scan3A_18 = %scan3A_13 to %scan3A_15 step %scan3A_16  : i32 {
      %mul3A_19 = arith.constant 16 : i32
      %mul3A_20 = arith.muli %scan3A_18, %mul3A_19 : i32
      %add3A_21 = arith.constant 0 : i32
      %add3A_22 = arith.addi %mul3A_20, %add3A_21 : i32
      %mul3A_23 = arith.constant 16 : i32
      %mul3A_24 = arith.muli %add3A_22, %mul3A_23 : i32
      %get3A = arith.index_cast %mul3A_24 : i32 to index
      %get3A_25 = tpu.vector_load %arg5[%get3A] {strides = array<i32>} : memref<16384xi32, #tpu.memory_space<vmem>>, vector<16xi32>,
      %get3A_26 = arith.index_cast %mul3A_24 : i32 to index
      %get3A_27 = tpu.vector_load %arg4[%get3A_26] {strides = array<i32>} : memref<16384xi32, #tpu.memory_space<vmem>>, vector<16xi32>,
      %ge3A = vector.broadcast %mul3A_6 : i32 to vector<16xi32>
      %ge3A_28 = arith.cmpi sge, %get3A_25, %ge3A : vector<16xi32>
      %add3A_29 = arith.constant 32 : i32
      %add3A_30 = arith.addi %mul3A_6, %add3A_29 : i32
      %lt3A = vector.broadcast %add3A_30 : i32 to vector<16xi32>
      %lt3A_31 = arith.cmpi slt, %get3A_25, %lt3A : vector<16xi32>
      %and3A = arith.andi %ge3A_28, %lt3A_31 : vector<16xi1>
      %sub3A = vector.broadcast %mul3A_6 : i32 to vector<16xi32>
      %sub3A_32 = arith.subi %get3A_25, %sub3A : vector<16xi32>
      tpu.vector_store_idx %arg6[%sub3A_32, %get3A_27], %broadcast_in_dim3A_2 masked %and3A {add = true} : memref<32x1024xf32, #tpu.memory_space<vmem>>[vector<16xi32>, vector<16xi32>], vector<16xf32>, vector<16xi1>
      %mul3A_33 = arith.constant 16 : i32
      %mul3A_34 = arith.muli %scan3A_18, %mul3A_33 : i32
      %add3A_35 = arith.constant 1 : i32
      %add3A_36 = arith.addi %mul3A_34, %add3A_35 : i32
      %mul3A_37 = arith.constant 16 : i32
      %mul3A_38 = arith.muli %add3A_36, %mul3A_37 : i32
      %get3A_39 = arith.index_cast %mul3A_38 : i32 to index
      %get3A_40 = tpu.vector_load %arg5[%get3A_39] {strides = array<i32>} : memref<16384xi32, #tpu.memory_space<vmem>>, vector<16xi32>,
      %get3A_41 = arith.index_cast %mul3A_38 : i32 to index
      %get3A_42 = tpu.vector_load %arg4[%get3A_41] {strides = array<i32>} : memref<16384xi32, #tpu.memory_space<vmem>>, vector<16xi32>,
      %ge3A_43 = vector.broadcast %mul3A_6 : i32 to vector<16xi32>
      %ge3A_44 = arith.cmpi sge, %get3A_40, %ge3A_43 : vector<16xi32>
      %add3A_45 = arith.constant 32 : i32
      %add3A_46 = arith.addi %mul3A_6, %add3A_45 : i32
      %lt3A_47 = vector.broadcast %add3A_46 : i32 to vector<16xi32>
      %lt3A_48 = arith.cmpi slt, %get3A_40, %lt3A_47 : vector<16xi32>
      %and3A_49 = arith.andi %ge3A_44, %lt3A_48 : vector<16xi1>
      %sub3A_50 = vector.broadcast %mul3A_6 : i32 to vector<16xi32>
      %sub3A_51 = arith.subi %get3A_40, %sub3A_50 : vector<16xi32>
      tpu.vector_store_idx %arg6[%sub3A_51, %get3A_42], %broadcast_in_dim3A_2 masked %and3A_49 {add = true} : memref<32x1024xf32, #tpu.memory_space<vmem>>[vector<16xi32>, vector<16xi32>], vector<16xf32>, vector<16xi1>
      %mul3A_52 = arith.constant 16 : i32
      %mul3A_53 = arith.muli %scan3A_18, %mul3A_52 : i32
      %add3A_54 = arith.constant 2 : i32
      %add3A_55 = arith.addi %mul3A_53, %add3A_54 : i32
      %mul3A_56 = arith.constant 16 : i32
      %mul3A_57 = arith.muli %add3A_55, %mul3A_56 : i32
      %get3A_58 = arith.index_cast %mul3A_57 : i32 to index
      %get3A_59 = tpu.vector_load %arg5[%get3A_58] {strides = array<i32>} : memref<16384xi32, #tpu.memory_space<vmem>>, vector<16xi32>,
      %get3A_60 = arith.index_cast %mul3A_57 : i32 to index
      %get3A_61 = tpu.vector_load %arg4[%get3A_60] {strides = array<i32>} : memref<16384xi32, #tpu.memory_space<vmem>>, vector<16xi32>,
      %ge3A_62 = vector.broadcast %mul3A_6 : i32 to vector<16xi32>
      %ge3A_63 = arith.cmpi sge, %get3A_59, %ge3A_62 : vector<16xi32>
      %add3A_64 = arith.constant 32 : i32
      %add3A_65 = arith.addi %mul3A_6, %add3A_64 : i32
      %lt3A_66 = vector.broadcast %add3A_65 : i32 to vector<16xi32>
      %lt3A_67 = arith.cmpi slt, %get3A_59, %lt3A_66 : vector<16xi32>
      %and3A_68 = arith.andi %ge3A_63, %lt3A_67 : vector<16xi1>
      %sub3A_69 = vector.broadcast %mul3A_6 : i32 to vector<16xi32>
      %sub3A_70 = arith.subi %get3A_59, %sub3A_69 : vector<16xi32>
      tpu.vector_store_idx %arg6[%sub3A_70, %get3A_61], %broadcast_in_dim3A_2 masked %and3A_68 {add = true} : memref<32x1024xf32, #tpu.memory_space<vmem>>[vector<16xi32>, vector<16xi32>], vector<16xf32>, vector<16xi1>
      %mul3A_71 = arith.constant 16 : i32
      %mul3A_72 = arith.muli %scan3A_18, %mul3A_71 : i32
      %add3A_73 = arith.constant 3 : i32
      %add3A_74 = arith.addi %mul3A_72, %add3A_73 : i32
      %mul3A_75 = arith.constant 16 : i32
      %mul3A_76 = arith.muli %add3A_74, %mul3A_75 : i32
      %get3A_77 = arith.index_cast %mul3A_76 : i32 to index
      %get3A_78 = tpu.vector_load %arg5[%get3A_77] {strides = array<i32>} : memref<16384xi32, #tpu.memory_space<vmem>>, vector<16xi32>,
      %get3A_79 = arith.index_cast %mul3A_76 : i32 to index
      %get3A_80 = tpu.vector_load %arg4[%get3A_79] {strides = array<i32>} : memref<16384xi32, #tpu.memory_space<vmem>>, vector<16xi32>,
      %ge3A_81 = vector.broadcast %mul3A_6 : i32 to vector<16xi32>
      %ge3A_82 = arith.cmpi sge, %get3A_78, %ge3A_81 : vector<16xi32>
      %add3A_83 = arith.constant 32 : i32
      %add3A_84 = arith.addi %mul3A_6, %add3A_83 : i32
      %lt3A_85 = vector.broadcast %add3A_84 : i32 to vector<16xi32>
      %lt3A_86 = arith.cmpi slt, %get3A_78, %lt3A_85 : vector<16xi32>
      %and3A_87 = arith.andi %ge3A_82, %lt3A_86 : vector<16xi1>
      %sub3A_88 = vector.broadcast %mul3A_6 : i32 to vector<16xi32>
      %sub3A_89 = arith.subi %get3A_78, %sub3A_88 : vector<16xi32>
      tpu.vector_store_idx %arg6[%sub3A_89, %get3A_80], %broadcast_in_dim3A_2 masked %and3A_87 {add = true} : memref<32x1024xf32, #tpu.memory_space<vmem>>[vector<16xi32>, vector<16xi32>], vector<16xf32>, vector<16xi1>
      %mul3A_90 = arith.constant 16 : i32
      %mul3A_91 = arith.muli %scan3A_18, %mul3A_90 : i32
      %add3A_92 = arith.constant 4 : i32
      %add3A_93 = arith.addi %mul3A_91, %add3A_92 : i32
      %mul3A_94 = arith.constant 16 : i32
      %mul3A_95 = arith.muli %add3A_93, %mul3A_94 : i32
      %get3A_96 = arith.index_cast %mul3A_95 : i32 to index
      %get3A_97 = tpu.vector_load %arg5[%get3A_96] {strides = array<i32>} : memref<16384xi32, #tpu.memory_space<vmem>>, vector<16xi32>,
      %get3A_98 = arith.index_cast %mul3A_95 : i32 to index
      %get3A_99 = tpu.vector_load %arg4[%get3A_98] {strides = array<i32>} : memref<16384xi32, #tpu.memory_space<vmem>>, vector<16xi32>,
      %ge3A_100 = vector.broadcast %mul3A_6 : i32 to vector<16xi32>
      %ge3A_101 = arith.cmpi sge, %get3A_97, %ge3A_100 : vector<16xi32>
      %add3A_102 = arith.constant 32 : i32
      %add3A_103 = arith.addi %mul3A_6, %add3A_102 : i32
      %lt3A_104 = vector.broadcast %add3A_103 : i32 to vector<16xi32>
      %lt3A_105 = arith.cmpi slt, %get3A_97, %lt3A_104 : vector<16xi32>
      %and3A_106 = arith.andi %ge3A_101, %lt3A_105 : vector<16xi1>
      %sub3A_107 = vector.broadcast %mul3A_6 : i32 to vector<16xi32>
      %sub3A_108 = arith.subi %get3A_97, %sub3A_107 : vector<16xi32>
      tpu.vector_store_idx %arg6[%sub3A_108, %get3A_99], %broadcast_in_dim3A_2 masked %and3A_106 {add = true} : memref<32x1024xf32, #tpu.memory_space<vmem>>[vector<16xi32>, vector<16xi32>], vector<16xf32>, vector<16xi1>
      %mul3A_109 = arith.constant 16 : i32
      %mul3A_110 = arith.muli %scan3A_18, %mul3A_109 : i32
      %add3A_111 = arith.constant 5 : i32
      %add3A_112 = arith.addi %mul3A_110, %add3A_111 : i32
      %mul3A_113 = arith.constant 16 : i32
      %mul3A_114 = arith.muli %add3A_112, %mul3A_113 : i32
      %get3A_115 = arith.index_cast %mul3A_114 : i32 to index
      %get3A_116 = tpu.vector_load %arg5[%get3A_115] {strides = array<i32>} : memref<16384xi32, #tpu.memory_space<vmem>>, vector<16xi32>,
      %get3A_117 = arith.index_cast %mul3A_114 : i32 to index
      %get3A_118 = tpu.vector_load %arg4[%get3A_117] {strides = array<i32>} : memref<16384xi32, #tpu.memory_space<vmem>>, vector<16xi32>,
      %ge3A_119 = vector.broadcast %mul3A_6 : i32 to vector<16xi32>
      %ge3A_120 = arith.cmpi sge, %get3A_116, %ge3A_119 : vector<16xi32>
      %add3A_121 = arith.constant 32 : i32
      %add3A_122 = arith.addi %mul3A_6, %add3A_121 : i32
      %lt3A_123 = vector.broadcast %add3A_122 : i32 to vector<16xi32>
      %lt3A_124 = arith.cmpi slt, %get3A_116, %lt3A_123 : vector<16xi32>
      %and3A_125 = arith.andi %ge3A_120, %lt3A_124 : vector<16xi1>
      %sub3A_126 = vector.broadcast %mul3A_6 : i32 to vector<16xi32>
      %sub3A_127 = arith.subi %get3A_116, %sub3A_126 : vector<16xi32>
      tpu.vector_store_idx %arg6[%sub3A_127, %get3A_118], %broadcast_in_dim3A_2 masked %and3A_125 {add = true} : memref<32x1024xf32, #tpu.memory_space<vmem>>[vector<16xi32>, vector<16xi32>], vector<16xf32>, vector<16xi1>
      %mul3A_128 = arith.constant 16 : i32
      %mul3A_129 = arith.muli %scan3A_18, %mul3A_128 : i32
      %add3A_130 = arith.constant 6 : i32
      %add3A_131 = arith.addi %mul3A_129, %add3A_130 : i32
      %mul3A_132 = arith.constant 16 : i32
      %mul3A_133 = arith.muli %add3A_131, %mul3A_132 : i32
      %get3A_134 = arith.index_cast %mul3A_133 : i32 to index
      %get3A_135 = tpu.vector_load %arg5[%get3A_134] {strides = array<i32>} : memref<16384xi32, #tpu.memory_space<vmem>>, vector<16xi32>,
      %get3A_136 = arith.index_cast %mul3A_133 : i32 to index
      %get3A_137 = tpu.vector_load %arg4[%get3A_136] {strides = array<i32>} : memref<16384xi32, #tpu.memory_space<vmem>>, vector<16xi32>,
      %ge3A_138 = vector.broadcast %mul3A_6 : i32 to vector<16xi32>
      %ge3A_139 = arith.cmpi sge, %get3A_135, %ge3A_138 : vector<16xi32>
      %add3A_140 = arith.constant 32 : i32
      %add3A_141 = arith.addi %mul3A_6, %add3A_140 : i32
      %lt3A_142 = vector.broadcast %add3A_141 : i32 to vector<16xi32>
      %lt3A_143 = arith.cmpi slt, %get3A_135, %lt3A_142 : vector<16xi32>
      %and3A_144 = arith.andi %ge3A_139, %lt3A_143 : vector<16xi1>
      %sub3A_145 = vector.broadcast %mul3A_6 : i32 to vector<16xi32>
      %sub3A_146 = arith.subi %get3A_135, %sub3A_145 : vector<16xi32>
      tpu.vector_store_idx %arg6[%sub3A_146, %get3A_137], %broadcast_in_dim3A_2 masked %and3A_144 {add = true} : memref<32x1024xf32, #tpu.memory_space<vmem>>[vector<16xi32>, vector<16xi32>], vector<16xf32>, vector<16xi1>
      %mul3A_147 = arith.constant 16 : i32
      %mul3A_148 = arith.muli %scan3A_18, %mul3A_147 : i32
      %add3A_149 = arith.constant 7 : i32
      %add3A_150 = arith.addi %mul3A_148, %add3A_149 : i32
      %mul3A_151 = arith.constant 16 : i32
      %mul3A_152 = arith.muli %add3A_150, %mul3A_151 : i32
      %get3A_153 = arith.index_cast %mul3A_152 : i32 to index
      %get3A_154 = tpu.vector_load %arg5[%get3A_153] {strides = array<i32>} : memref<16384xi32, #tpu.memory_space<vmem>>, vector<16xi32>,
      %get3A_155 = arith.index_cast %mul3A_152 : i32 to index
      %get3A_156 = tpu.vector_load %arg4[%get3A_155] {strides = array<i32>} : memref<16384xi32, #tpu.memory_space<vmem>>, vector<16xi32>,
      %ge3A_157 = vector.broadcast %mul3A_6 : i32 to vector<16xi32>
      %ge3A_158 = arith.cmpi sge, %get3A_154, %ge3A_157 : vector<16xi32>
      %add3A_159 = arith.constant 32 : i32
      %add3A_160 = arith.addi %mul3A_6, %add3A_159 : i32
      %lt3A_161 = vector.broadcast %add3A_160 : i32 to vector<16xi32>
      %lt3A_162 = arith.cmpi slt, %get3A_154, %lt3A_161 : vector<16xi32>
      %and3A_163 = arith.andi %ge3A_158, %lt3A_162 : vector<16xi1>
      %sub3A_164 = vector.broadcast %mul3A_6 : i32 to vector<16xi32>
      %sub3A_165 = arith.subi %get3A_154, %sub3A_164 : vector<16xi32>
      tpu.vector_store_idx %arg6[%sub3A_165, %get3A_156], %broadcast_in_dim3A_2 masked %and3A_163 {add = true} : memref<32x1024xf32, #tpu.memory_space<vmem>>[vector<16xi32>, vector<16xi32>], vector<16xf32>, vector<16xi1>
      %mul3A_166 = arith.constant 16 : i32
      %mul3A_167 = arith.muli %scan3A_18, %mul3A_166 : i32
      %add3A_168 = arith.constant 8 : i32
      %add3A_169 = arith.addi %mul3A_167, %add3A_168 : i32
      %mul3A_170 = arith.constant 16 : i32
      %mul3A_171 = arith.muli %add3A_169, %mul3A_170 : i32
      %get3A_172 = arith.index_cast %mul3A_171 : i32 to index
      %get3A_173 = tpu.vector_load %arg5[%get3A_172] {strides = array<i32>} : memref<16384xi32, #tpu.memory_space<vmem>>, vector<16xi32>,
      %get3A_174 = arith.index_cast %mul3A_171 : i32 to index
      %get3A_175 = tpu.vector_load %arg4[%get3A_174] {strides = array<i32>} : memref<16384xi32, #tpu.memory_space<vmem>>, vector<16xi32>,
      %ge3A_176 = vector.broadcast %mul3A_6 : i32 to vector<16xi32>
      %ge3A_177 = arith.cmpi sge, %get3A_173, %ge3A_176 : vector<16xi32>
      %add3A_178 = arith.constant 32 : i32
      %add3A_179 = arith.addi %mul3A_6, %add3A_178 : i32
      %lt3A_180 = vector.broadcast %add3A_179 : i32 to vector<16xi32>
      %lt3A_181 = arith.cmpi slt, %get3A_173, %lt3A_180 : vector<16xi32>
      %and3A_182 = arith.andi %ge3A_177, %lt3A_181 : vector<16xi1>
      %sub3A_183 = vector.broadcast %mul3A_6 : i32 to vector<16xi32>
      %sub3A_184 = arith.subi %get3A_173, %sub3A_183 : vector<16xi32>
      tpu.vector_store_idx %arg6[%sub3A_184, %get3A_175], %broadcast_in_dim3A_2 masked %and3A_182 {add = true} : memref<32x1024xf32, #tpu.memory_space<vmem>>[vector<16xi32>, vector<16xi32>], vector<16xf32>, vector<16xi1>
      %mul3A_185 = arith.constant 16 : i32
      %mul3A_186 = arith.muli %scan3A_18, %mul3A_185 : i32
      %add3A_187 = arith.constant 9 : i32
      %add3A_188 = arith.addi %mul3A_186, %add3A_187 : i32
      %mul3A_189 = arith.constant 16 : i32
      %mul3A_190 = arith.muli %add3A_188, %mul3A_189 : i32
      %get3A_191 = arith.index_cast %mul3A_190 : i32 to index
      %get3A_192 = tpu.vector_load %arg5[%get3A_191] {strides = array<i32>} : memref<16384xi32, #tpu.memory_space<vmem>>, vector<16xi32>,
      %get3A_193 = arith.index_cast %mul3A_190 : i32 to index
      %get3A_194 = tpu.vector_load %arg4[%get3A_193] {strides = array<i32>} : memref<16384xi32, #tpu.memory_space<vmem>>, vector<16xi32>,
      %ge3A_195 = vector.broadcast %mul3A_6 : i32 to vector<16xi32>
      %ge3A_196 = arith.cmpi sge, %get3A_192, %ge3A_195 : vector<16xi32>
      %add3A_197 = arith.constant 32 : i32
      %add3A_198 = arith.addi %mul3A_6, %add3A_197 : i32
      %lt3A_199 = vector.broadcast %add3A_198 : i32 to vector<16xi32>
      %lt3A_200 = arith.cmpi slt, %get3A_192, %lt3A_199 : vector<16xi32>
      %and3A_201 = arith.andi %ge3A_196, %lt3A_200 : vector<16xi1>
      %sub3A_202 = vector.broadcast %mul3A_6 : i32 to vector<16xi32>
      %sub3A_203 = arith.subi %get3A_192, %sub3A_202 : vector<16xi32>
      tpu.vector_store_idx %arg6[%sub3A_203, %get3A_194], %broadcast_in_dim3A_2 masked %and3A_201 {add = true} : memref<32x1024xf32, #tpu.memory_space<vmem>>[vector<16xi32>, vector<16xi32>], vector<16xf32>, vector<16xi1>
      %mul3A_204 = arith.constant 16 : i32
      %mul3A_205 = arith.muli %scan3A_18, %mul3A_204 : i32
      %add3A_206 = arith.constant 10 : i32
      %add3A_207 = arith.addi %mul3A_205, %add3A_206 : i32
      %mul3A_208 = arith.constant 16 : i32
      %mul3A_209 = arith.muli %add3A_207, %mul3A_208 : i32
      %get3A_210 = arith.index_cast %mul3A_209 : i32 to index
      %get3A_211 = tpu.vector_load %arg5[%get3A_210] {strides = array<i32>} : memref<16384xi32, #tpu.memory_space<vmem>>, vector<16xi32>,
      %get3A_212 = arith.index_cast %mul3A_209 : i32 to index
      %get3A_213 = tpu.vector_load %arg4[%get3A_212] {strides = array<i32>} : memref<16384xi32, #tpu.memory_space<vmem>>, vector<16xi32>,
      %ge3A_214 = vector.broadcast %mul3A_6 : i32 to vector<16xi32>
      %ge3A_215 = arith.cmpi sge, %get3A_211, %ge3A_214 : vector<16xi32>
      %add3A_216 = arith.constant 32 : i32
      %add3A_217 = arith.addi %mul3A_6, %add3A_216 : i32
      %lt3A_218 = vector.broadcast %add3A_217 : i32 to vector<16xi32>
      %lt3A_219 = arith.cmpi slt, %get3A_211, %lt3A_218 : vector<16xi32>
      %and3A_220 = arith.andi %ge3A_215, %lt3A_219 : vector<16xi1>
      %sub3A_221 = vector.broadcast %mul3A_6 : i32 to vector<16xi32>
      %sub3A_222 = arith.subi %get3A_211, %sub3A_221 : vector<16xi32>
      tpu.vector_store_idx %arg6[%sub3A_222, %get3A_213], %broadcast_in_dim3A_2 masked %and3A_220 {add = true} : memref<32x1024xf32, #tpu.memory_space<vmem>>[vector<16xi32>, vector<16xi32>], vector<16xf32>, vector<16xi1>
      %mul3A_223 = arith.constant 16 : i32
      %mul3A_224 = arith.muli %scan3A_18, %mul3A_223 : i32
      %add3A_225 = arith.constant 11 : i32
      %add3A_226 = arith.addi %mul3A_224, %add3A_225 : i32
      %mul3A_227 = arith.constant 16 : i32
      %mul3A_228 = arith.muli %add3A_226, %mul3A_227 : i32
      %get3A_229 = arith.index_cast %mul3A_228 : i32 to index
      %get3A_230 = tpu.vector_load %arg5[%get3A_229] {strides = array<i32>} : memref<16384xi32, #tpu.memory_space<vmem>>, vector<16xi32>,
      %get3A_231 = arith.index_cast %mul3A_228 : i32 to index
      %get3A_232 = tpu.vector_load %arg4[%get3A_231] {strides = array<i32>} : memref<16384xi32, #tpu.memory_space<vmem>>, vector<16xi32>,
      %ge3A_233 = vector.broadcast %mul3A_6 : i32 to vector<16xi32>
      %ge3A_234 = arith.cmpi sge, %get3A_230, %ge3A_233 : vector<16xi32>
      %add3A_235 = arith.constant 32 : i32
      %add3A_236 = arith.addi %mul3A_6, %add3A_235 : i32
      %lt3A_237 = vector.broadcast %add3A_236 : i32 to vector<16xi32>
      %lt3A_238 = arith.cmpi slt, %get3A_230, %lt3A_237 : vector<16xi32>
      %and3A_239 = arith.andi %ge3A_234, %lt3A_238 : vector<16xi1>
      %sub3A_240 = vector.broadcast %mul3A_6 : i32 to vector<16xi32>
      %sub3A_241 = arith.subi %get3A_230, %sub3A_240 : vector<16xi32>
      tpu.vector_store_idx %arg6[%sub3A_241, %get3A_232], %broadcast_in_dim3A_2 masked %and3A_239 {add = true} : memref<32x1024xf32, #tpu.memory_space<vmem>>[vector<16xi32>, vector<16xi32>], vector<16xf32>, vector<16xi1>
      %mul3A_242 = arith.constant 16 : i32
      %mul3A_243 = arith.muli %scan3A_18, %mul3A_242 : i32
      %add3A_244 = arith.constant 12 : i32
      %add3A_245 = arith.addi %mul3A_243, %add3A_244 : i32
      %mul3A_246 = arith.constant 16 : i32
      %mul3A_247 = arith.muli %add3A_245, %mul3A_246 : i32
      %get3A_248 = arith.index_cast %mul3A_247 : i32 to index
      %get3A_249 = tpu.vector_load %arg5[%get3A_248] {strides = array<i32>} : memref<16384xi32, #tpu.memory_space<vmem>>, vector<16xi32>,
      %get3A_250 = arith.index_cast %mul3A_247 : i32 to index
      %get3A_251 = tpu.vector_load %arg4[%get3A_250] {strides = array<i32>} : memref<16384xi32, #tpu.memory_space<vmem>>, vector<16xi32>,
      %ge3A_252 = vector.broadcast %mul3A_6 : i32 to vector<16xi32>
      %ge3A_253 = arith.cmpi sge, %get3A_249, %ge3A_252 : vector<16xi32>
      %add3A_254 = arith.constant 32 : i32
      %add3A_255 = arith.addi %mul3A_6, %add3A_254 : i32
      %lt3A_256 = vector.broadcast %add3A_255 : i32 to vector<16xi32>
      %lt3A_257 = arith.cmpi slt, %get3A_249, %lt3A_256 : vector<16xi32>
      %and3A_258 = arith.andi %ge3A_253, %lt3A_257 : vector<16xi1>
      %sub3A_259 = vector.broadcast %mul3A_6 : i32 to vector<16xi32>
      %sub3A_260 = arith.subi %get3A_249, %sub3A_259 : vector<16xi32>
      tpu.vector_store_idx %arg6[%sub3A_260, %get3A_251], %broadcast_in_dim3A_2 masked %and3A_258 {add = true} : memref<32x1024xf32, #tpu.memory_space<vmem>>[vector<16xi32>, vector<16xi32>], vector<16xf32>, vector<16xi1>
      %mul3A_261 = arith.constant 16 : i32
      %mul3A_262 = arith.muli %scan3A_18, %mul3A_261 : i32
      %add3A_263 = arith.constant 13 : i32
      %add3A_264 = arith.addi %mul3A_262, %add3A_263 : i32
      %mul3A_265 = arith.constant 16 : i32
      %mul3A_266 = arith.muli %add3A_264, %mul3A_265 : i32
      %get3A_267 = arith.index_cast %mul3A_266 : i32 to index
      %get3A_268 = tpu.vector_load %arg5[%get3A_267] {strides = array<i32>} : memref<16384xi32, #tpu.memory_space<vmem>>, vector<16xi32>,
      %get3A_269 = arith.index_cast %mul3A_266 : i32 to index
      %get3A_270 = tpu.vector_load %arg4[%get3A_269] {strides = array<i32>} : memref<16384xi32, #tpu.memory_space<vmem>>, vector<16xi32>,
      %ge3A_271 = vector.broadcast %mul3A_6 : i32 to vector<16xi32>
      %ge3A_272 = arith.cmpi sge, %get3A_268, %ge3A_271 : vector<16xi32>
      %add3A_273 = arith.constant 32 : i32
      %add3A_274 = arith.addi %mul3A_6, %add3A_273 : i32
      %lt3A_275 = vector.broadcast %add3A_274 : i32 to vector<16xi32>
      %lt3A_276 = arith.cmpi slt, %get3A_268, %lt3A_275 : vector<16xi32>
      %and3A_277 = arith.andi %ge3A_272, %lt3A_276 : vector<16xi1>
      %sub3A_278 = vector.broadcast %mul3A_6 : i32 to vector<16xi32>
      %sub3A_279 = arith.subi %get3A_268, %sub3A_278 : vector<16xi32>
      tpu.vector_store_idx %arg6[%sub3A_279, %get3A_270], %broadcast_in_dim3A_2 masked %and3A_277 {add = true} : memref<32x1024xf32, #tpu.memory_space<vmem>>[vector<16xi32>, vector<16xi32>], vector<16xf32>, vector<16xi1>
      %mul3A_280 = arith.constant 16 : i32
      %mul3A_281 = arith.muli %scan3A_18, %mul3A_280 : i32
      %add3A_282 = arith.constant 14 : i32
      %add3A_283 = arith.addi %mul3A_281, %add3A_282 : i32
      %mul3A_284 = arith.constant 16 : i32
      %mul3A_285 = arith.muli %add3A_283, %mul3A_284 : i32
      %get3A_286 = arith.index_cast %mul3A_285 : i32 to index
      %get3A_287 = tpu.vector_load %arg5[%get3A_286] {strides = array<i32>} : memref<16384xi32, #tpu.memory_space<vmem>>, vector<16xi32>,
      %get3A_288 = arith.index_cast %mul3A_285 : i32 to index
      %get3A_289 = tpu.vector_load %arg4[%get3A_288] {strides = array<i32>} : memref<16384xi32, #tpu.memory_space<vmem>>, vector<16xi32>,
      %ge3A_290 = vector.broadcast %mul3A_6 : i32 to vector<16xi32>
      %ge3A_291 = arith.cmpi sge, %get3A_287, %ge3A_290 : vector<16xi32>
      %add3A_292 = arith.constant 32 : i32
      %add3A_293 = arith.addi %mul3A_6, %add3A_292 : i32
      %lt3A_294 = vector.broadcast %add3A_293 : i32 to vector<16xi32>
      %lt3A_295 = arith.cmpi slt, %get3A_287, %lt3A_294 : vector<16xi32>
      %and3A_296 = arith.andi %ge3A_291, %lt3A_295 : vector<16xi1>
      %sub3A_297 = vector.broadcast %mul3A_6 : i32 to vector<16xi32>
      %sub3A_298 = arith.subi %get3A_287, %sub3A_297 : vector<16xi32>
      tpu.vector_store_idx %arg6[%sub3A_298, %get3A_289], %broadcast_in_dim3A_2 masked %and3A_296 {add = true} : memref<32x1024xf32, #tpu.memory_space<vmem>>[vector<16xi32>, vector<16xi32>], vector<16xf32>, vector<16xi1>
      %mul3A_299 = arith.constant 16 : i32
      %mul3A_300 = arith.muli %scan3A_18, %mul3A_299 : i32
      %add3A_301 = arith.constant 15 : i32
      %add3A_302 = arith.addi %mul3A_300, %add3A_301 : i32
      %mul3A_303 = arith.constant 16 : i32
      %mul3A_304 = arith.muli %add3A_302, %mul3A_303 : i32
      %get3A_305 = arith.index_cast %mul3A_304 : i32 to index
      %get3A_306 = tpu.vector_load %arg5[%get3A_305] {strides = array<i32>} : memref<16384xi32, #tpu.memory_space<vmem>>, vector<16xi32>,
      %get3A_307 = arith.index_cast %mul3A_304 : i32 to index
      %get3A_308 = tpu.vector_load %arg4[%get3A_307] {strides = array<i32>} : memref<16384xi32, #tpu.memory_space<vmem>>, vector<16xi32>,
      %ge3A_309 = vector.broadcast %mul3A_6 : i32 to vector<16xi32>
      %ge3A_310 = arith.cmpi sge, %get3A_306, %ge3A_309 : vector<16xi32>
      %add3A_311 = arith.constant 32 : i32
      %add3A_312 = arith.addi %mul3A_6, %add3A_311 : i32
      %lt3A_313 = vector.broadcast %add3A_312 : i32 to vector<16xi32>
      %lt3A_314 = arith.cmpi slt, %get3A_306, %lt3A_313 : vector<16xi32>
      %and3A_315 = arith.andi %ge3A_310, %lt3A_314 : vector<16xi1>
      %sub3A_316 = vector.broadcast %mul3A_6 : i32 to vector<16xi32>
      %sub3A_317 = arith.subi %get3A_306, %sub3A_316 : vector<16xi32>
      tpu.vector_store_idx %arg6[%sub3A_317, %get3A_308], %broadcast_in_dim3A_2 masked %and3A_315 {add = true} : memref<32x1024xf32, #tpu.memory_space<vmem>>[vector<16xi32>, vector<16xi32>], vector<16xf32>, vector<16xi1>
    }
    %scan3A_17 = arith.constant 64 : i32
    "tpu.region"() ({
      %run_scoped3A_18 = tpu.sem_alloc : memref<!tpu.dma_semaphore, #tpu.memory_space<semaphore_mem>>
      %dma_start3A = arith.constant 0 : i32
      %dma_start3A_19 = tpu.memref_slice %arg3[%mul3A_6, %dma_start3A] : memref<1024x1024xf32, #tpu.memory_space<hbm>> -> memref<32x1024xf32, #tpu.memory_space<hbm>>
      %dma_start3A_20 = arith.constant 0 : i32
      %dma_start3A_21 = tpu.memref_slice %arg3[%mul3A_6, %dma_start3A_20] : memref<1024x1024xf32, #tpu.memory_space<hbm>> -> memref<32x1024xf32, #tpu.memory_space<hbm>>
      tpu.enqueue_dma source(%arg6 : memref<32x1024xf32, #tpu.memory_space<vmem>>) target(%dma_start3A_21 : memref<32x1024xf32, #tpu.memory_space<hbm>>) target_semaphore(%run_scoped3A_18 : memref<!tpu.dma_semaphore, #tpu.memory_space<semaphore_mem>>)
      %dma_wait3A = arith.constant 0 : i32
      %dma_wait3A_22 = tpu.memref_slice %arg3[%mul3A_6, %dma_wait3A] : memref<1024x1024xf32, #tpu.memory_space<hbm>> -> memref<32x1024xf32, #tpu.memory_space<hbm>>
      %dma_wait3A_23 = arith.constant 0 : i32
      %dma_wait3A_24 = tpu.memref_slice %arg3[%mul3A_6, %dma_wait3A_23] : memref<1024x1024xf32, #tpu.memory_space<hbm>> -> memref<32x1024xf32, #tpu.memory_space<hbm>>
      tpu.wait_dma2 semaphore(%run_scoped3A_18 : memref<!tpu.dma_semaphore, #tpu.memory_space<semaphore_mem>>) src(%arg6 : memref<32x1024xf32, #tpu.memory_space<vmem>>) dst(%dma_wait3A_24 : memref<32x1024xf32, #tpu.memory_space<hbm>>)
      tpu.yield
    }) : () -> ()
    return
  }
}

module attributes {stable_mosaic.version = 14 : i64} {
  func.func @_forward_body(%arg0: memref<64x1024xf32, #tpu.memory_space<vmem>>, %arg1: memref<1024x64xf32, #tpu.memory_space<vmem>>, %arg2: memref<64x64xf32, #tpu.memory_space<vmem>>, %arg3: memref<64xf32, #tpu.memory_space<vmem>>, %arg4: memref<64x64xf32, #tpu.memory_space<vmem>>, %arg5: memref<64xf32, #tpu.memory_space<vmem>>, %arg6: memref<64x1xf32, #tpu.memory_space<vmem>>, %arg7: memref<1xf32, #tpu.memory_space<vmem>>, %arg8: memref<1024x1024xf32, #tpu.memory_space<vmem>>, %arg9: memref<64x1024xf32, #tpu.memory_space<vmem>>) attributes {dimension_semantics = [], scalar_prefetch = 0 : i64, scratch_operands = 0 : i64, tpu.core_type = #tpu.core_type<tc>} {
    %get3A = arith.constant 0 : index
    %get3A_0 = arith.constant 0 : index
    %get3A_1 = vector.load %arg8[%get3A, %get3A_0] : memref<1024x1024xf32, #tpu.memory_space<vmem>>, vector<1024x1024xf32>
    %reduce_sum3A = arith.constant dense<0.000000e+00> : vector<1024xf32>
    %reduce_sum3A_2 = vector.multi_reduction <add>, %get3A_1, %reduce_sum3A [1] : vector<1024x1024xf32> to vector<1024xf32>
    %gt3A = arith.constant 0.000000e+00 : f32
    %gt3A_3 = vector.broadcast %gt3A : f32 to vector<1024xf32>
    %gt3A_4 = arith.cmpf ogt, %reduce_sum3A_2, %gt3A_3 : vector<1024xf32>
    %max3A = arith.constant 9.99999996E-13 : f32
    %max3A_5 = vector.broadcast %max3A : f32 to vector<1024xf32>
    %max3A_6 = arith.maximumf %reduce_sum3A_2, %max3A_5 : vector<1024xf32>
    %rsqrt3A = math.rsqrt %max3A_6 : vector<1024xf32>
    %jit3A = arith.constant 0.000000e+00 : f32
    %broadcast_in_dim3A = vector.broadcast %jit3A : f32 to vector<1024xf32>
    %select_n3A = arith.select %gt3A_4, %rsqrt3A, %broadcast_in_dim3A : vector<1024xi1>, vector<1024xf32>
    %broadcast_in_dim3A_7 = vector.shape_cast %select_n3A : vector<1024xf32> to vector<1024x1xf32>
    %get3A_8 = arith.constant 0 : index
    %get3A_9 = arith.constant 0 : index
    %get3A_10 = vector.load %arg0[%get3A_8, %get3A_9] : memref<64x1024xf32, #tpu.memory_space<vmem>>, vector<64x1024xf32>
    %transpose3A = tpu.transpose %get3A_10, [1, 0] : vector<64x1024xf32> -> vector<1024x64xf32>
    %iota3A = tpu.iota {dimensions = array<i32: 1>} : vector<64x4096xi32>
    %jit3A_11 = arith.constant 64 : i32
    %div3A = vector.broadcast %jit3A_11 : i32 to vector<64x4096xi32>
    %div3A_12 = arith.divsi %iota3A, %div3A : vector<64x4096xi32>
    %sign3A = arith.constant 0 : i32
    %sign3A_13 = vector.broadcast %sign3A : i32 to vector<64x4096xi32>
    %sign3A_14 = arith.cmpi sgt, %iota3A, %sign3A_13 : vector<64x4096xi32>
    %sign3A_15 = arith.extui %sign3A_14 : vector<64x4096xi1> to vector<64x4096xi32>
    %sign3A_16 = arith.constant 0 : i32
    %sign3A_17 = vector.broadcast %sign3A_16 : i32 to vector<64x4096xi32>
    %sign3A_18 = arith.cmpi slt, %iota3A, %sign3A_17 : vector<64x4096xi32>
    %sign3A_19 = arith.extui %sign3A_18 : vector<64x4096xi1> to vector<64x4096xi32>
    %sign3A_20 = arith.subi %sign3A_15, %sign3A_19 : vector<64x4096xi32>
    %sign3A_21 = arith.constant 0 : i32
    %sign3A_22 = arith.cmpi sgt, %jit3A_11, %sign3A_21 : i32
    %sign3A_23 = arith.extui %sign3A_22 : i1 to i32
    %sign3A_24 = arith.constant 0 : i32
    %sign3A_25 = arith.cmpi slt, %jit3A_11, %sign3A_24 : i32
    %sign3A_26 = arith.extui %sign3A_25 : i1 to i32
    %sign3A_27 = arith.subi %sign3A_23, %sign3A_26 : i32
    %ne3A = vector.broadcast %sign3A_27 : i32 to vector<64x4096xi32>
    %ne3A_28 = arith.cmpi ne, %sign3A_20, %ne3A : vector<64x4096xi32>
    %rem3A = vector.broadcast %jit3A_11 : i32 to vector<64x4096xi32>
    %rem3A_29 = arith.remsi %iota3A, %rem3A : vector<64x4096xi32>
    %ne3A_30 = arith.constant 0 : i32
    %ne3A_31 = vector.broadcast %ne3A_30 : i32 to vector<64x4096xi32>
    %ne3A_32 = arith.cmpi ne, %rem3A_29, %ne3A_31 : vector<64x4096xi32>
    %and3A = arith.andi %ne3A_28, %ne3A_32 : vector<64x4096xi1>
    %sub3A = arith.constant 1 : i32
    %sub3A_33 = vector.broadcast %sub3A : i32 to vector<64x4096xi32>
    %sub3A_34 = arith.subi %div3A_12, %sub3A_33 : vector<64x4096xi32>
    %select_n3A_35 = arith.select %and3A, %sub3A_34, %div3A_12 : vector<64x4096xi1>, vector<64x4096xi32>
    %iota3A_36 = tpu.iota {dimensions = array<i32: 0>} : vector<64x4096xi32>
    %eq3A = arith.cmpi eq, %select_n3A_35, %iota3A_36 : vector<64x4096xi32>
    %convert_element_type3A = arith.extui %eq3A : vector<64x4096xi1> to vector<64x4096xi32>
    %convert_element_type3A_37 = arith.sitofp %convert_element_type3A : vector<64x4096xi32> to vector<64x4096xf32>
    %dot_general3A = arith.constant dense<0.000000e+00> : vector<1024x4096xf32>
    %dot_general3A_38 = tpu.matmul %transpose3A, %convert_element_type3A_37, %dot_general3A {dimension_numbers = #tpu.dot_dimension_numbers<[1], [0], [0], [1], [0, 0, 1, 1], [], []>, transpose_lhs_hint = false} : vector<1024x64xf32>, vector<64x4096xf32>, vector<1024x4096xf32> -> vector<1024x4096xf32>
    %get3A_39 = arith.constant 0 : index
    %get3A_40 = arith.constant 0 : index
    %get3A_41 = vector.load %arg1[%get3A_39, %get3A_40] : memref<1024x64xf32, #tpu.memory_space<vmem>>, vector<1024x64xf32>
    %get3A_42 = arith.constant 0 : index
    %get3A_43 = arith.constant 0 : index
    %get3A_44 = vector.load %arg2[%get3A_42, %get3A_43] : memref<64x64xf32, #tpu.memory_space<vmem>>, vector<64x64xf32>
    %tile3A = tpu.concatenate %get3A_44, %get3A_44, %get3A_44, %get3A_44, %get3A_44, %get3A_44, %get3A_44, %get3A_44, %get3A_44, %get3A_44, %get3A_44, %get3A_44, %get3A_44, %get3A_44, %get3A_44, %get3A_44, %get3A_44, %get3A_44, %get3A_44, %get3A_44, %get3A_44, %get3A_44, %get3A_44, %get3A_44, %get3A_44, %get3A_44, %get3A_44, %get3A_44, %get3A_44, %get3A_44, %get3A_44, %get3A_44, %get3A_44, %get3A_44, %get3A_44, %get3A_44, %get3A_44, %get3A_44, %get3A_44, %get3A_44, %get3A_44, %get3A_44, %get3A_44, %get3A_44, %get3A_44, %get3A_44, %get3A_44, %get3A_44, %get3A_44, %get3A_44, %get3A_44, %get3A_44, %get3A_44, %get3A_44, %get3A_44, %get3A_44, %get3A_44, %get3A_44, %get3A_44, %get3A_44, %get3A_44, %get3A_44, %get3A_44, %get3A_44 in 1 : vector<64x64xf32>, vector<64x64xf32>, vector<64x64xf32>, vector<64x64xf32>, vector<64x64xf32>, vector<64x64xf32>, vector<64x64xf32>, vector<64x64xf32>, vector<64x64xf32>, vector<64x64xf32>, vector<64x64xf32>, vector<64x64xf32>, vector<64x64xf32>, vector<64x64xf32>, vector<64x64xf32>, vector<64x64xf32>, vector<64x64xf32>, vector<64x64xf32>, vector<64x64xf32>, vector<64x64xf32>, vector<64x64xf32>, vector<64x64xf32>, vector<64x64xf32>, vector<64x64xf32>, vector<64x64xf32>, vector<64x64xf32>, vector<64x64xf32>, vector<64x64xf32>, vector<64x64xf32>, vector<64x64xf32>, vector<64x64xf32>, vector<64x64xf32>, vector<64x64xf32>, vector<64x64xf32>, vector<64x64xf32>, vector<64x64xf32>, vector<64x64xf32>, vector<64x64xf32>, vector<64x64xf32>, vector<64x64xf32>, vector<64x64xf32>, vector<64x64xf32>, vector<64x64xf32>, vector<64x64xf32>, vector<64x64xf32>, vector<64x64xf32>, vector<64x64xf32>, vector<64x64xf32>, vector<64x64xf32>, vector<64x64xf32>, vector<64x64xf32>, vector<64x64xf32>, vector<64x64xf32>, vector<64x64xf32>, vector<64x64xf32>, vector<64x64xf32>, vector<64x64xf32>, vector<64x64xf32>, vector<64x64xf32>, vector<64x64xf32>, vector<64x64xf32>, vector<64x64xf32>, vector<64x64xf32>, vector<64x64xf32> -> vector<64x4096xf32>
    %dot_general3A_45 = arith.constant dense<0.000000e+00> : vector<1024x4096xf32>
    %dot_general3A_46 = tpu.matmul %get3A_41, %tile3A, %dot_general3A_45 {dimension_numbers = #tpu.dot_dimension_numbers<[1], [0], [0], [1], [0, 0, 1, 1], [], []>, transpose_lhs_hint = false} : vector<1024x64xf32>, vector<64x4096xf32>, vector<1024x4096xf32> -> vector<1024x4096xf32>
    %mul3A = arith.mulf %dot_general3A_38, %dot_general3A_46 : vector<1024x4096xf32>
    %mul3A_47 = vector.broadcast %broadcast_in_dim3A_7 : vector<1024x1xf32> to vector<1024x4096xf32>
    %mul3A_48 = arith.mulf %mul3A, %mul3A_47 : vector<1024x4096xf32>
    %dot_general3A_49 = arith.constant dense<0.000000e+00> : vector<1024x4096xf32>
    %dot_general3A_50 = tpu.matmul %get3A_1, %mul3A_48, %dot_general3A_49 {dimension_numbers = #tpu.dot_dimension_numbers<[1], [0], [0], [1], [0, 0, 1, 1], [], []>, transpose_lhs_hint = false} : vector<1024x1024xf32>, vector<1024x4096xf32>, vector<1024x4096xf32> -> vector<1024x4096xf32>
    %mul3A_51 = vector.broadcast %broadcast_in_dim3A_7 : vector<1024x1xf32> to vector<1024x4096xf32>
    %mul3A_52 = arith.mulf %dot_general3A_50, %mul3A_51 : vector<1024x4096xf32>
    %get3A_53 = arith.constant 0 : index
    %get3A_54 = vector.load %arg3[%get3A_53] : memref<64xf32, #tpu.memory_space<vmem>>, vector<64xf32>
    %tile3A_55 = tpu.concatenate %get3A_54, %get3A_54, %get3A_54, %get3A_54, %get3A_54, %get3A_54, %get3A_54, %get3A_54, %get3A_54, %get3A_54, %get3A_54, %get3A_54, %get3A_54, %get3A_54, %get3A_54, %get3A_54, %get3A_54, %get3A_54, %get3A_54, %get3A_54, %get3A_54, %get3A_54, %get3A_54, %get3A_54, %get3A_54, %get3A_54, %get3A_54, %get3A_54, %get3A_54, %get3A_54, %get3A_54, %get3A_54, %get3A_54, %get3A_54, %get3A_54, %get3A_54, %get3A_54, %get3A_54, %get3A_54, %get3A_54, %get3A_54, %get3A_54, %get3A_54, %get3A_54, %get3A_54, %get3A_54, %get3A_54, %get3A_54, %get3A_54, %get3A_54, %get3A_54, %get3A_54, %get3A_54, %get3A_54, %get3A_54, %get3A_54, %get3A_54, %get3A_54, %get3A_54, %get3A_54, %get3A_54, %get3A_54, %get3A_54, %get3A_54 in 0 : vector<64xf32>, vector<64xf32>, vector<64xf32>, vector<64xf32>, vector<64xf32>, vector<64xf32>, vector<64xf32>, vector<64xf32>, vector<64xf32>, vector<64xf32>, vector<64xf32>, vector<64xf32>, vector<64xf32>, vector<64xf32>, vector<64xf32>, vector<64xf32>, vector<64xf32>, vector<64xf32>, vector<64xf32>, vector<64xf32>, vector<64xf32>, vector<64xf32>, vector<64xf32>, vector<64xf32>, vector<64xf32>, vector<64xf32>, vector<64xf32>, vector<64xf32>, vector<64xf32>, vector<64xf32>, vector<64xf32>, vector<64xf32>, vector<64xf32>, vector<64xf32>, vector<64xf32>, vector<64xf32>, vector<64xf32>, vector<64xf32>, vector<64xf32>, vector<64xf32>, vector<64xf32>, vector<64xf32>, vector<64xf32>, vector<64xf32>, vector<64xf32>, vector<64xf32>, vector<64xf32>, vector<64xf32>, vector<64xf32>, vector<64xf32>, vector<64xf32>, vector<64xf32>, vector<64xf32>, vector<64xf32>, vector<64xf32>, vector<64xf32>, vector<64xf32>, vector<64xf32>, vector<64xf32>, vector<64xf32>, vector<64xf32>, vector<64xf32>, vector<64xf32>, vector<64xf32> -> vector<4096xf32>
    %broadcast_in_dim3A_56 = vector.shape_cast %tile3A_55 : vector<4096xf32> to vector<1x4096xf32>
    %add3A = vector.broadcast %broadcast_in_dim3A_56 : vector<1x4096xf32> to vector<1024x4096xf32>
    %add3A_57 = arith.addf %mul3A_52, %add3A : vector<1024x4096xf32>
    %max3A_58 = arith.constant 0.000000e+00 : f32
    %max3A_59 = vector.broadcast %max3A_58 : f32 to vector<1024x4096xf32>
    %max3A_60 = arith.maximumf %add3A_57, %max3A_59 : vector<1024x4096xf32>
    %iota3A_61 = tpu.iota {dimensions = array<i32: 0>} : vector<512x512xi32>
    %jit3A_62 = arith.constant 64 : i32
    %div3A_63 = vector.broadcast %jit3A_62 : i32 to vector<512x512xi32>
    %div3A_64 = arith.divsi %iota3A_61, %div3A_63 : vector<512x512xi32>
    %sign3A_65 = arith.constant 0 : i32
    %sign3A_66 = vector.broadcast %sign3A_65 : i32 to vector<512x512xi32>
    %sign3A_67 = arith.cmpi sgt, %iota3A_61, %sign3A_66 : vector<512x512xi32>
    %sign3A_68 = arith.extui %sign3A_67 : vector<512x512xi1> to vector<512x512xi32>
    %sign3A_69 = arith.constant 0 : i32
    %sign3A_70 = vector.broadcast %sign3A_69 : i32 to vector<512x512xi32>
    %sign3A_71 = arith.cmpi slt, %iota3A_61, %sign3A_70 : vector<512x512xi32>
    %sign3A_72 = arith.extui %sign3A_71 : vector<512x512xi1> to vector<512x512xi32>
    %sign3A_73 = arith.subi %sign3A_68, %sign3A_72 : vector<512x512xi32>
    %sign3A_74 = arith.constant 0 : i32
    %sign3A_75 = arith.cmpi sgt, %jit3A_62, %sign3A_74 : i32
    %sign3A_76 = arith.extui %sign3A_75 : i1 to i32
    %sign3A_77 = arith.constant 0 : i32
    %sign3A_78 = arith.cmpi slt, %jit3A_62, %sign3A_77 : i32
    %sign3A_79 = arith.extui %sign3A_78 : i1 to i32
    %sign3A_80 = arith.subi %sign3A_76, %sign3A_79 : i32
    %ne3A_81 = vector.broadcast %sign3A_80 : i32 to vector<512x512xi32>
    %ne3A_82 = arith.cmpi ne, %sign3A_73, %ne3A_81 : vector<512x512xi32>
    %rem3A_83 = vector.broadcast %jit3A_62 : i32 to vector<512x512xi32>
    %rem3A_84 = arith.remsi %iota3A_61, %rem3A_83 : vector<512x512xi32>
    %ne3A_85 = arith.constant 0 : i32
    %ne3A_86 = vector.broadcast %ne3A_85 : i32 to vector<512x512xi32>
    %ne3A_87 = arith.cmpi ne, %rem3A_84, %ne3A_86 : vector<512x512xi32>
    %and3A_88 = arith.andi %ne3A_82, %ne3A_87 : vector<512x512xi1>
    %sub3A_89 = arith.constant 1 : i32
    %sub3A_90 = vector.broadcast %sub3A_89 : i32 to vector<512x512xi32>
    %sub3A_91 = arith.subi %div3A_64, %sub3A_90 : vector<512x512xi32>
    %select_n3A_92 = arith.select %and3A_88, %sub3A_91, %div3A_64 : vector<512x512xi1>, vector<512x512xi32>
    %iota3A_93 = tpu.iota {dimensions = array<i32: 1>} : vector<512x512xi32>
    %jit3A_94 = arith.constant 64 : i32
    %div3A_95 = vector.broadcast %jit3A_94 : i32 to vector<512x512xi32>
    %div3A_96 = arith.divsi %iota3A_93, %div3A_95 : vector<512x512xi32>
    %sign3A_97 = arith.constant 0 : i32
    %sign3A_98 = vector.broadcast %sign3A_97 : i32 to vector<512x512xi32>
    %sign3A_99 = arith.cmpi sgt, %iota3A_93, %sign3A_98 : vector<512x512xi32>
    %sign3A_100 = arith.extui %sign3A_99 : vector<512x512xi1> to vector<512x512xi32>
    %sign3A_101 = arith.constant 0 : i32
    %sign3A_102 = vector.broadcast %sign3A_101 : i32 to vector<512x512xi32>
    %sign3A_103 = arith.cmpi slt, %iota3A_93, %sign3A_102 : vector<512x512xi32>
    %sign3A_104 = arith.extui %sign3A_103 : vector<512x512xi1> to vector<512x512xi32>
    %sign3A_105 = arith.subi %sign3A_100, %sign3A_104 : vector<512x512xi32>
    %sign3A_106 = arith.constant 0 : i32
    %sign3A_107 = arith.cmpi sgt, %jit3A_94, %sign3A_106 : i32
    %sign3A_108 = arith.extui %sign3A_107 : i1 to i32
    %sign3A_109 = arith.constant 0 : i32
    %sign3A_110 = arith.cmpi slt, %jit3A_94, %sign3A_109 : i32
    %sign3A_111 = arith.extui %sign3A_110 : i1 to i32
    %sign3A_112 = arith.subi %sign3A_108, %sign3A_111 : i32
    %ne3A_113 = vector.broadcast %sign3A_112 : i32 to vector<512x512xi32>
    %ne3A_114 = arith.cmpi ne, %sign3A_105, %ne3A_113 : vector<512x512xi32>
    %rem3A_115 = vector.broadcast %jit3A_94 : i32 to vector<512x512xi32>
    %rem3A_116 = arith.remsi %iota3A_93, %rem3A_115 : vector<512x512xi32>
    %ne3A_117 = arith.constant 0 : i32
    %ne3A_118 = vector.broadcast %ne3A_117 : i32 to vector<512x512xi32>
    %ne3A_119 = arith.cmpi ne, %rem3A_116, %ne3A_118 : vector<512x512xi32>
    %and3A_120 = arith.andi %ne3A_114, %ne3A_119 : vector<512x512xi1>
    %sub3A_121 = arith.constant 1 : i32
    %sub3A_122 = vector.broadcast %sub3A_121 : i32 to vector<512x512xi32>
    %sub3A_123 = arith.subi %div3A_96, %sub3A_122 : vector<512x512xi32>
    %select_n3A_124 = arith.select %and3A_120, %sub3A_123, %div3A_96 : vector<512x512xi1>, vector<512x512xi32>
    %eq3A_125 = arith.cmpi eq, %select_n3A_92, %select_n3A_124 : vector<512x512xi32>
    %get3A_126 = arith.constant 0 : index
    %get3A_127 = arith.constant 0 : index
    %get3A_128 = vector.load %arg4[%get3A_126, %get3A_127] : memref<64x64xf32, #tpu.memory_space<vmem>>, vector<64x64xf32>
    %tile3A_129 = tpu.concatenate %get3A_128, %get3A_128, %get3A_128, %get3A_128, %get3A_128, %get3A_128, %get3A_128, %get3A_128 in 0 : vector<64x64xf32>, vector<64x64xf32>, vector<64x64xf32>, vector<64x64xf32>, vector<64x64xf32>, vector<64x64xf32>, vector<64x64xf32>, vector<64x64xf32> -> vector<512x64xf32>
    %tile3A_130 = tpu.concatenate %tile3A_129, %tile3A_129, %tile3A_129, %tile3A_129, %tile3A_129, %tile3A_129, %tile3A_129, %tile3A_129 in 1 : vector<512x64xf32>, vector<512x64xf32>, vector<512x64xf32>, vector<512x64xf32>, vector<512x64xf32>, vector<512x64xf32>, vector<512x64xf32>, vector<512x64xf32> -> vector<512x512xf32>
    %jit3A_131 = arith.constant 0.000000e+00 : f32
    %broadcast_in_dim3A_132 = vector.broadcast %jit3A_131 : f32 to vector<512x512xf32>
    %select_n3A_133 = arith.select %eq3A_125, %tile3A_130, %broadcast_in_dim3A_132 : vector<512x512xi1>, vector<512x512xf32>
    %slice3A = vector.extract_strided_slice %max3A_60 {offsets = [0, 0], sizes = [1024, 512], strides = [1, 1]} : vector<1024x4096xf32> to vector<1024x512xf32>
    %dot_general3A_134 = arith.constant dense<0.000000e+00> : vector<1024x512xf32>
    %dot_general3A_135 = tpu.matmul %slice3A, %select_n3A_133, %dot_general3A_134 {dimension_numbers = #tpu.dot_dimension_numbers<[1], [0], [0], [1], [0, 0, 1, 1], [], []>, transpose_lhs_hint = false} : vector<1024x512xf32>, vector<512x512xf32>, vector<1024x512xf32> -> vector<1024x512xf32>
    %slice3A_136 = vector.extract_strided_slice %max3A_60 {offsets = [0, 512], sizes = [1024, 512], strides = [1, 1]} : vector<1024x4096xf32> to vector<1024x512xf32>
    %dot_general3A_137 = arith.constant dense<0.000000e+00> : vector<1024x512xf32>
    %dot_general3A_138 = tpu.matmul %slice3A_136, %select_n3A_133, %dot_general3A_137 {dimension_numbers = #tpu.dot_dimension_numbers<[1], [0], [0], [1], [0, 0, 1, 1], [], []>, transpose_lhs_hint = false} : vector<1024x512xf32>, vector<512x512xf32>, vector<1024x512xf32> -> vector<1024x512xf32>
    %slice3A_139 = vector.extract_strided_slice %max3A_60 {offsets = [0, 1024], sizes = [1024, 512], strides = [1, 1]} : vector<1024x4096xf32> to vector<1024x512xf32>
    %dot_general3A_140 = arith.constant dense<0.000000e+00> : vector<1024x512xf32>
    %dot_general3A_141 = tpu.matmul %slice3A_139, %select_n3A_133, %dot_general3A_140 {dimension_numbers = #tpu.dot_dimension_numbers<[1], [0], [0], [1], [0, 0, 1, 1], [], []>, transpose_lhs_hint = false} : vector<1024x512xf32>, vector<512x512xf32>, vector<1024x512xf32> -> vector<1024x512xf32>
    %slice3A_142 = vector.extract_strided_slice %max3A_60 {offsets = [0, 1536], sizes = [1024, 512], strides = [1, 1]} : vector<1024x4096xf32> to vector<1024x512xf32>
    %dot_general3A_143 = arith.constant dense<0.000000e+00> : vector<1024x512xf32>
    %dot_general3A_144 = tpu.matmul %slice3A_142, %select_n3A_133, %dot_general3A_143 {dimension_numbers = #tpu.dot_dimension_numbers<[1], [0], [0], [1], [0, 0, 1, 1], [], []>, transpose_lhs_hint = false} : vector<1024x512xf32>, vector<512x512xf32>, vector<1024x512xf32> -> vector<1024x512xf32>
    %slice3A_145 = vector.extract_strided_slice %max3A_60 {offsets = [0, 2048], sizes = [1024, 512], strides = [1, 1]} : vector<1024x4096xf32> to vector<1024x512xf32>
    %dot_general3A_146 = arith.constant dense<0.000000e+00> : vector<1024x512xf32>
    %dot_general3A_147 = tpu.matmul %slice3A_145, %select_n3A_133, %dot_general3A_146 {dimension_numbers = #tpu.dot_dimension_numbers<[1], [0], [0], [1], [0, 0, 1, 1], [], []>, transpose_lhs_hint = false} : vector<1024x512xf32>, vector<512x512xf32>, vector<1024x512xf32> -> vector<1024x512xf32>
    %slice3A_148 = vector.extract_strided_slice %max3A_60 {offsets = [0, 2560], sizes = [1024, 512], strides = [1, 1]} : vector<1024x4096xf32> to vector<1024x512xf32>
    %dot_general3A_149 = arith.constant dense<0.000000e+00> : vector<1024x512xf32>
    %dot_general3A_150 = tpu.matmul %slice3A_148, %select_n3A_133, %dot_general3A_149 {dimension_numbers = #tpu.dot_dimension_numbers<[1], [0], [0], [1], [0, 0, 1, 1], [], []>, transpose_lhs_hint = false} : vector<1024x512xf32>, vector<512x512xf32>, vector<1024x512xf32> -> vector<1024x512xf32>
    %slice3A_151 = vector.extract_strided_slice %max3A_60 {offsets = [0, 3072], sizes = [1024, 512], strides = [1, 1]} : vector<1024x4096xf32> to vector<1024x512xf32>
    %dot_general3A_152 = arith.constant dense<0.000000e+00> : vector<1024x512xf32>
    %dot_general3A_153 = tpu.matmul %slice3A_151, %select_n3A_133, %dot_general3A_152 {dimension_numbers = #tpu.dot_dimension_numbers<[1], [0], [0], [1], [0, 0, 1, 1], [], []>, transpose_lhs_hint = false} : vector<1024x512xf32>, vector<512x512xf32>, vector<1024x512xf32> -> vector<1024x512xf32>
    %slice3A_154 = vector.extract_strided_slice %max3A_60 {offsets = [0, 3584], sizes = [1024, 512], strides = [1, 1]} : vector<1024x4096xf32> to vector<1024x512xf32>
    %dot_general3A_155 = arith.constant dense<0.000000e+00> : vector<1024x512xf32>
    %dot_general3A_156 = tpu.matmul %slice3A_154, %select_n3A_133, %dot_general3A_155 {dimension_numbers = #tpu.dot_dimension_numbers<[1], [0], [0], [1], [0, 0, 1, 1], [], []>, transpose_lhs_hint = false} : vector<1024x512xf32>, vector<512x512xf32>, vector<1024x512xf32> -> vector<1024x512xf32>
    %concatenate3A = tpu.concatenate %dot_general3A_135, %dot_general3A_138, %dot_general3A_141, %dot_general3A_144, %dot_general3A_147, %dot_general3A_150, %dot_general3A_153, %dot_general3A_156 in 1 : vector<1024x512xf32>, vector<1024x512xf32>, vector<1024x512xf32>, vector<1024x512xf32>, vector<1024x512xf32>, vector<1024x512xf32>, vector<1024x512xf32>, vector<1024x512xf32> -> vector<1024x4096xf32>
    %mul3A_157 = vector.broadcast %broadcast_in_dim3A_7 : vector<1024x1xf32> to vector<1024x4096xf32>
    %mul3A_158 = arith.mulf %concatenate3A, %mul3A_157 : vector<1024x4096xf32>
    %dot_general3A_159 = arith.constant dense<0.000000e+00> : vector<1024x4096xf32>
    %dot_general3A_160 = tpu.matmul %get3A_1, %mul3A_158, %dot_general3A_159 {dimension_numbers = #tpu.dot_dimension_numbers<[1], [0], [0], [1], [0, 0, 1, 1], [], []>, transpose_lhs_hint = false} : vector<1024x1024xf32>, vector<1024x4096xf32>, vector<1024x4096xf32> -> vector<1024x4096xf32>
    %mul3A_161 = vector.broadcast %broadcast_in_dim3A_7 : vector<1024x1xf32> to vector<1024x4096xf32>
    %mul3A_162 = arith.mulf %dot_general3A_160, %mul3A_161 : vector<1024x4096xf32>
    %get3A_163 = arith.constant 0 : index
    %get3A_164 = vector.load %arg5[%get3A_163] : memref<64xf32, #tpu.memory_space<vmem>>, vector<64xf32>
    %tile3A_165 = tpu.concatenate %get3A_164, %get3A_164, %get3A_164, %get3A_164, %get3A_164, %get3A_164, %get3A_164, %get3A_164, %get3A_164, %get3A_164, %get3A_164, %get3A_164, %get3A_164, %get3A_164, %get3A_164, %get3A_164, %get3A_164, %get3A_164, %get3A_164, %get3A_164, %get3A_164, %get3A_164, %get3A_164, %get3A_164, %get3A_164, %get3A_164, %get3A_164, %get3A_164, %get3A_164, %get3A_164, %get3A_164, %get3A_164, %get3A_164, %get3A_164, %get3A_164, %get3A_164, %get3A_164, %get3A_164, %get3A_164, %get3A_164, %get3A_164, %get3A_164, %get3A_164, %get3A_164, %get3A_164, %get3A_164, %get3A_164, %get3A_164, %get3A_164, %get3A_164, %get3A_164, %get3A_164, %get3A_164, %get3A_164, %get3A_164, %get3A_164, %get3A_164, %get3A_164, %get3A_164, %get3A_164, %get3A_164, %get3A_164, %get3A_164, %get3A_164 in 0 : vector<64xf32>, vector<64xf32>, vector<64xf32>, vector<64xf32>, vector<64xf32>, vector<64xf32>, vector<64xf32>, vector<64xf32>, vector<64xf32>, vector<64xf32>, vector<64xf32>, vector<64xf32>, vector<64xf32>, vector<64xf32>, vector<64xf32>, vector<64xf32>, vector<64xf32>, vector<64xf32>, vector<64xf32>, vector<64xf32>, vector<64xf32>, vector<64xf32>, vector<64xf32>, vector<64xf32>, vector<64xf32>, vector<64xf32>, vector<64xf32>, vector<64xf32>, vector<64xf32>, vector<64xf32>, vector<64xf32>, vector<64xf32>, vector<64xf32>, vector<64xf32>, vector<64xf32>, vector<64xf32>, vector<64xf32>, vector<64xf32>, vector<64xf32>, vector<64xf32>, vector<64xf32>, vector<64xf32>, vector<64xf32>, vector<64xf32>, vector<64xf32>, vector<64xf32>, vector<64xf32>, vector<64xf32>, vector<64xf32>, vector<64xf32>, vector<64xf32>, vector<64xf32>, vector<64xf32>, vector<64xf32>, vector<64xf32>, vector<64xf32>, vector<64xf32>, vector<64xf32>, vector<64xf32>, vector<64xf32>, vector<64xf32>, vector<64xf32>, vector<64xf32>, vector<64xf32> -> vector<4096xf32>
    %broadcast_in_dim3A_166 = vector.shape_cast %tile3A_165 : vector<4096xf32> to vector<1x4096xf32>
    %add3A_167 = vector.broadcast %broadcast_in_dim3A_166 : vector<1x4096xf32> to vector<1024x4096xf32>
    %add3A_168 = arith.addf %mul3A_162, %add3A_167 : vector<1024x4096xf32>
    %max3A_169 = arith.constant 0.000000e+00 : f32
    %max3A_170 = vector.broadcast %max3A_169 : f32 to vector<1024x4096xf32>
    %max3A_171 = arith.maximumf %add3A_168, %max3A_170 : vector<1024x4096xf32>
    %iota3A_172 = tpu.iota {dimensions = array<i32: 0>} : vector<4096x64xi32>
    %jit3A_173 = arith.constant 64 : i32
    %div3A_174 = vector.broadcast %jit3A_173 : i32 to vector<4096x64xi32>
    %div3A_175 = arith.divsi %iota3A_172, %div3A_174 : vector<4096x64xi32>
    %sign3A_176 = arith.constant 0 : i32
    %sign3A_177 = vector.broadcast %sign3A_176 : i32 to vector<4096x64xi32>
    %sign3A_178 = arith.cmpi sgt, %iota3A_172, %sign3A_177 : vector<4096x64xi32>
    %sign3A_179 = arith.extui %sign3A_178 : vector<4096x64xi1> to vector<4096x64xi32>
    %sign3A_180 = arith.constant 0 : i32
    %sign3A_181 = vector.broadcast %sign3A_180 : i32 to vector<4096x64xi32>
    %sign3A_182 = arith.cmpi slt, %iota3A_172, %sign3A_181 : vector<4096x64xi32>
    %sign3A_183 = arith.extui %sign3A_182 : vector<4096x64xi1> to vector<4096x64xi32>
    %sign3A_184 = arith.subi %sign3A_179, %sign3A_183 : vector<4096x64xi32>
    %sign3A_185 = arith.constant 0 : i32
    %sign3A_186 = arith.cmpi sgt, %jit3A_173, %sign3A_185 : i32
    %sign3A_187 = arith.extui %sign3A_186 : i1 to i32
    %sign3A_188 = arith.constant 0 : i32
    %sign3A_189 = arith.cmpi slt, %jit3A_173, %sign3A_188 : i32
    %sign3A_190 = arith.extui %sign3A_189 : i1 to i32
    %sign3A_191 = arith.subi %sign3A_187, %sign3A_190 : i32
    %ne3A_192 = vector.broadcast %sign3A_191 : i32 to vector<4096x64xi32>
    %ne3A_193 = arith.cmpi ne, %sign3A_184, %ne3A_192 : vector<4096x64xi32>
    %rem3A_194 = vector.broadcast %jit3A_173 : i32 to vector<4096x64xi32>
    %rem3A_195 = arith.remsi %iota3A_172, %rem3A_194 : vector<4096x64xi32>
    %ne3A_196 = arith.constant 0 : i32
    %ne3A_197 = vector.broadcast %ne3A_196 : i32 to vector<4096x64xi32>
    %ne3A_198 = arith.cmpi ne, %rem3A_195, %ne3A_197 : vector<4096x64xi32>
    %and3A_199 = arith.andi %ne3A_193, %ne3A_198 : vector<4096x64xi1>
    %sub3A_200 = arith.constant 1 : i32
    %sub3A_201 = vector.broadcast %sub3A_200 : i32 to vector<4096x64xi32>
    %sub3A_202 = arith.subi %div3A_175, %sub3A_201 : vector<4096x64xi32>
    %select_n3A_203 = arith.select %and3A_199, %sub3A_202, %div3A_175 : vector<4096x64xi1>, vector<4096x64xi32>
    %iota3A_204 = tpu.iota {dimensions = array<i32: 1>} : vector<4096x64xi32>
    %eq3A_205 = arith.cmpi eq, %select_n3A_203, %iota3A_204 : vector<4096x64xi32>
    %get3A_206 = arith.constant 0 : index
    %get3A_207 = arith.constant 0 : index
    %get3A_208 = vector.load %arg6[%get3A_206, %get3A_207] : memref<64x1xf32, #tpu.memory_space<vmem>>, vector<64x1xf32>
    %tile3A_209 = tpu.concatenate %get3A_208, %get3A_208, %get3A_208, %get3A_208, %get3A_208, %get3A_208, %get3A_208, %get3A_208, %get3A_208, %get3A_208, %get3A_208, %get3A_208, %get3A_208, %get3A_208, %get3A_208, %get3A_208, %get3A_208, %get3A_208, %get3A_208, %get3A_208, %get3A_208, %get3A_208, %get3A_208, %get3A_208, %get3A_208, %get3A_208, %get3A_208, %get3A_208, %get3A_208, %get3A_208, %get3A_208, %get3A_208, %get3A_208, %get3A_208, %get3A_208, %get3A_208, %get3A_208, %get3A_208, %get3A_208, %get3A_208, %get3A_208, %get3A_208, %get3A_208, %get3A_208, %get3A_208, %get3A_208, %get3A_208, %get3A_208, %get3A_208, %get3A_208, %get3A_208, %get3A_208, %get3A_208, %get3A_208, %get3A_208, %get3A_208, %get3A_208, %get3A_208, %get3A_208, %get3A_208, %get3A_208, %get3A_208, %get3A_208, %get3A_208 in 0 : vector<64x1xf32>, vector<64x1xf32>, vector<64x1xf32>, vector<64x1xf32>, vector<64x1xf32>, vector<64x1xf32>, vector<64x1xf32>, vector<64x1xf32>, vector<64x1xf32>, vector<64x1xf32>, vector<64x1xf32>, vector<64x1xf32>, vector<64x1xf32>, vector<64x1xf32>, vector<64x1xf32>, vector<64x1xf32>, vector<64x1xf32>, vector<64x1xf32>, vector<64x1xf32>, vector<64x1xf32>, vector<64x1xf32>, vector<64x1xf32>, vector<64x1xf32>, vector<64x1xf32>, vector<64x1xf32>, vector<64x1xf32>, vector<64x1xf32>, vector<64x1xf32>, vector<64x1xf32>, vector<64x1xf32>, vector<64x1xf32>, vector<64x1xf32>, vector<64x1xf32>, vector<64x1xf32>, vector<64x1xf32>, vector<64x1xf32>, vector<64x1xf32>, vector<64x1xf32>, vector<64x1xf32>, vector<64x1xf32>, vector<64x1xf32>, vector<64x1xf32>, vector<64x1xf32>, vector<64x1xf32>, vector<64x1xf32>, vector<64x1xf32>, vector<64x1xf32>, vector<64x1xf32>, vector<64x1xf32>, vector<64x1xf32>, vector<64x1xf32>, vector<64x1xf32>, vector<64x1xf32>, vector<64x1xf32>, vector<64x1xf32>, vector<64x1xf32>, vector<64x1xf32>, vector<64x1xf32>, vector<64x1xf32>, vector<64x1xf32>, vector<64x1xf32>, vector<64x1xf32>, vector<64x1xf32>, vector<64x1xf32> -> vector<4096x1xf32>
    %jit3A_210 = arith.constant 0.000000e+00 : f32
    %broadcast_in_dim3A_211 = vector.shape_cast %tile3A_209 : vector<4096x1xf32> to vector<4096x1xf32>
    %broadcast_in_dim3A_212 = vector.broadcast %broadcast_in_dim3A_211 : vector<4096x1xf32> to vector<4096x64xf32>
    %broadcast_in_dim3A_213 = vector.broadcast %jit3A_210 : f32 to vector<4096x64xf32>
    %select_n3A_214 = arith.select %eq3A_205, %broadcast_in_dim3A_212, %broadcast_in_dim3A_213 : vector<4096x64xi1>, vector<4096x64xf32>
    %dot_general3A_215 = arith.constant dense<0.000000e+00> : vector<1024x64xf32>
    %dot_general3A_216 = tpu.matmul %max3A_171, %select_n3A_214, %dot_general3A_215 {dimension_numbers = #tpu.dot_dimension_numbers<[1], [0], [0], [1], [0, 0, 1, 1], [], []>, transpose_lhs_hint = false} : vector<1024x4096xf32>, vector<4096x64xf32>, vector<1024x64xf32> -> vector<1024x64xf32>
    %mul3A_217 = vector.broadcast %broadcast_in_dim3A_7 : vector<1024x1xf32> to vector<1024x64xf32>
    %mul3A_218 = arith.mulf %dot_general3A_216, %mul3A_217 : vector<1024x64xf32>
    %dot_general3A_219 = arith.constant dense<0.000000e+00> : vector<1024x64xf32>
    %dot_general3A_220 = tpu.matmul %get3A_1, %mul3A_218, %dot_general3A_219 {dimension_numbers = #tpu.dot_dimension_numbers<[1], [0], [0], [1], [0, 0, 1, 1], [], []>, transpose_lhs_hint = false} : vector<1024x1024xf32>, vector<1024x64xf32>, vector<1024x64xf32> -> vector<1024x64xf32>
    %mul3A_221 = vector.broadcast %broadcast_in_dim3A_7 : vector<1024x1xf32> to vector<1024x64xf32>
    %mul3A_222 = arith.mulf %dot_general3A_220, %mul3A_221 : vector<1024x64xf32>
    %get3A_223 = arith.constant 0 : index
    %get3A_224 = vector.load %arg7[%get3A_223] : memref<1xf32, #tpu.memory_space<vmem>>, vector<1xf32>
    %get3A_225 = vector.extract %get3A_224[0] : f32 from vector<1xf32>
    %add3A_226 = vector.broadcast %get3A_225 : f32 to vector<1024x64xf32>
    %add3A_227 = arith.addf %mul3A_222, %add3A_226 : vector<1024x64xf32>
    %slice3A_228 = vector.extract_strided_slice %add3A_227 {offsets = [0, 0], sizes = [16, 64], strides = [1, 1]} : vector<1024x64xf32> to vector<16x64xf32>
    %reduce_max3A = arith.constant dense<0xFF800000> : vector<64xf32>
    %reduce_max3A_229 = vector.multi_reduction <maximumf>, %slice3A_228, %reduce_max3A [0] : vector<16x64xf32> to vector<64xf32>
    %broadcast_in_dim3A_230 = vector.shape_cast %reduce_max3A_229 : vector<64xf32> to vector<1x64xf32>
    %sub3A_231 = vector.broadcast %broadcast_in_dim3A_230 : vector<1x64xf32> to vector<16x64xf32>
    %sub3A_232 = arith.subf %slice3A_228, %sub3A_231 : vector<16x64xf32>
    %exp3A = math.exp %sub3A_232 : vector<16x64xf32>
    %reduce_sum3A_233 = arith.constant dense<0.000000e+00> : vector<64xf32>
    %reduce_sum3A_234 = vector.multi_reduction <add>, %exp3A, %reduce_sum3A_233 [0] : vector<16x64xf32> to vector<64xf32>
    %broadcast_in_dim3A_235 = vector.shape_cast %reduce_sum3A_234 : vector<64xf32> to vector<1x64xf32>
    %div3A_236 = vector.broadcast %broadcast_in_dim3A_235 : vector<1x64xf32> to vector<16x64xf32>
    %div3A_237 = arith.divf %exp3A, %div3A_236 : vector<16x64xf32>
    %slice3A_238 = vector.extract_strided_slice %add3A_227 {offsets = [16, 0], sizes = [1008, 64], strides = [1, 1]} : vector<1024x64xf32> to vector<1008x64xf32>
    %neg3A = arith.constant 0.000000e+00 : f32
    %neg3A_239 = vector.broadcast %neg3A : f32 to vector<1008x64xf32>
    %neg3A_240 = arith.subf %neg3A_239, %slice3A_238 : vector<1008x64xf32>
    %exp3A_241 = math.exp %neg3A_240 : vector<1008x64xf32>
    %add3A_242 = arith.constant 1.000000e+00 : f32
    %add3A_243 = vector.broadcast %add3A_242 : f32 to vector<1008x64xf32>
    %add3A_244 = arith.addf %add3A_243, %exp3A_241 : vector<1008x64xf32>
    %div3A_245 = arith.constant 1.000000e+00 : f32
    %div3A_246 = vector.broadcast %div3A_245 : f32 to vector<1008x64xf32>
    %div3A_247 = arith.divf %div3A_246, %add3A_244 : vector<1008x64xf32>
    %concatenate3A_248 = tpu.concatenate %div3A_237, %div3A_247 in 0 : vector<16x64xf32>, vector<1008x64xf32> -> vector<1024x64xf32>
    %transpose3A_249 = tpu.transpose %concatenate3A_248, [1, 0] : vector<1024x64xf32> -> vector<64x1024xf32>
    %swap3A = arith.constant 0 : index
    %swap3A_250 = arith.constant 0 : index
    %swap3A_251 = vector.load %arg9[%swap3A, %swap3A_250] : memref<64x1024xf32, #tpu.memory_space<vmem>>, vector<64x1024xf32>
    tpu.vector_store %arg9[%swap3A, %swap3A_250], %transpose3A_249 {strides = array<i32>} : memref<64x1024xf32, #tpu.memory_space<vmem>>, vector<64x1024xf32>,
    return
  }
}

</mosaic_0001>

<sc_bundles>
// kernel: kernel.4.cloned.1.call-start
scs
__scs_entry_jumppad:
0x0: {  	(pc) =	sbr.rel $0x88, $3  }
0x1: {  	(tag) =	ssettag $0x0;
	lr =	simm.s32 $0x1  }
0x2: {  	[smem:$0x3F98] =	sst lr;
	_ =	strace $0xD0000000  }
0x3: {  	_ = 	snop  }
0x4: {  	_ = 	snop  }
0x5: {  	_ = 	snop  }
0x6: {  	_ = 	snop  }
0x7: {  	_ = 	snop  }
__scs_overlays_trampoline_lowered:
0x8: {  	[smem:$0x3FA7] =	sst s0  }
0x9: {  	[smem:$0x3FA8] =	sst s1  }
0xa: {  	[smem:$0x3FA9] =	sst s2  }
0xb: {  	[smem:$0x3FAA] =	sst s3  }
0xc: {  	[smem:$0x3FAB] =	sst s4  }
0xd: {  	[smem:$0x3FAC] =	sst s5  }
0xe: {  	[smem:$0x3FAD] =	sst s6  }
0xf: {  	[smem:$0x3FAE] =	sst s7  }
0x10: {  	[smem:$0x3FAF] =	sst s8  }
0x11: {  	[smem:$0x3FB0] =	sst s9;
	s0 =	simm.s32 @!p0 $0x0  }
0x12: {  	s1 =	sld [smem:$0x3F96];
	s0 =	simm.s32 @p0 $0x1  }
0x13: {  	[smem:$0x3FB1] =	sst s0;
	s0 =	simm.s32 @!p1 $0x0  }
0x14: {  	s2 =	sld [smem:$0x3F95];
	s0 =	simm.s32 @p1 $0x1  }
0x15: {  	[smem:$0x3FB2] =	sst s0;
	s0 =	simm.s32 @!p2 $0x0  }
0x16: {  	s3 =	sld [smem:$0x3FDB];
	s0 =	simm.s32 @p2 $0x1  }
0x17: {  	s4 =	simm.s32 $0x1BF5;
	[smem:$0x3FB4] =	sst s0  }
0x18: {  	s0 =	sld [smem:$0x3F97];
	_ =	swait.ge [sflag:s4], $0x0  }
0x19: {  	s7 =	sld [smem:$0x3F98]  }
0x1a: {  	s8 =	sadd.s32 $0xFFFFE003, lr  }
0x1b: {  	s9 =	sadd.s32 $0xFFFFFEF7, lr;
	s5 =	simm.s32 $0xFFFFFFFF;
	p2 =	slt.u32 s8, $0xFFFFF086  }
0x1c: {  	p1 =	slt.u32 s9, $0xF7A;
	s5 =	simm.s32 @!p2 $0x0  }
0x1d: {  	s5 =	simm.s32 @p1 $0x1;
	p0 =	seq.s32 s7, s2  }
0x1e: {  	s7 =	smul.u32 @!p0 $0xF7A, s2;
	p2 =	seq.s32 @!p0 s5, $0x0  }
0x1f: {  	s9 =	smul.u32 $0xF7A, s1;
	s8 =	simm.s32 @!p0 $0x1BF5;
	p2 =	por !p2, p0  }
0x20: {  	[sflag:s8] =	ssyncset.s32 @!p0 $0xFFFFF086;
	s6 =	sadd.s32 @!p0 s3, s7;
	s7 =	simm.s32 @!p0 $0x108  }
0x21: {  	s3 =	sadd.s32 s3, s9;
	s6 =	sadd.s32 @!p0 $0x88, s6;
	s7 =	simm.s32 @p2 $0x1082  }
0x22: {  	[simem:s7], [sflag:s8] =	dma.local @!p0 [hbm:s6], $0xF7A  }
0x23: {  	s9 =	sor.u32 $0xD0000000, s2;
	s6 =	simm.s32 $0x108;
	_ =	swait.ge @!p0 [sflag:s8], $0x0  }
0x24: {  	s3 =	sadd.s32 $0x88, s3;
	s6 =	simm.s32 @!p1 $0x1082;
	[sflag:s4] =	ssyncset.s32 $0xFFFFF086  }
0x25: {  	[simem:s6], [sflag:s4] =	dma.local [hbm:s3], $0xF7A  }
0x26: {  	[smem:$0x3F98] =	sst s1;
	(tag) =	ssettag s2;
	_ =	strace s9  }
0x27: {  	s1 =	sld [smem:$0x3FA8]  }
0x28: {  	s2 =	sld [smem:$0x3FA9]  }
0x29: {  	s4 =	sld [smem:$0x3FAB]  }
0x2a: {  	p0 =	seq.s32 s5, $0x0;
	s5 =	sld [smem:$0x3FAC]  }
0x2b: {  	s6 =	sld [smem:$0x3FAD]  }
0x2c: {  	s7 =	sld [smem:$0x3FAE]  }
0x2d: {  	s3 =	simm.s32 $0x108;
	s8 =	sld [smem:$0x3FAF]  }
0x2e: {  	s3 =	simm.s32 @!p0 $0x1082;
	s9 =	sld [smem:$0x3FB0]  }
0x2f: {  	lr =	sadd.s32 s0, s3;
	s0 =	sld [smem:$0x3FA7]  }
0x30: {  	s3 =	sld [smem:$0x3FAA]  }
0x31: {  	[smem:$0x3FB3] =	sst s10  }
0x32: {  	s10 =	sld [smem:$0x3FB1];
	_ =	sdelay $0x3  }
0x33: {  	p0 =	seq.s32 s10, $0x1;
	s10 =	sld [smem:$0x3FB3];
	_ =	sdelay $0x3  }
0x34: {  	[smem:$0x3FB3] =	sst s10  }
0x35: {  	s10 =	sld [smem:$0x3FB2];
	_ =	sdelay $0x3  }
0x36: {  	p1 =	seq.s32 s10, $0x1;
	s10 =	sld [smem:$0x3FB3];
	_ =	sdelay $0x3  }
0x37: {  	[smem:$0x3FB3] =	sst s10  }
0x38: {  	s10 =	sld [smem:$0x3FB4]  }
0x39: {  	_ = 	snop;
	(pc) =	sbr.ind lr, $3  }
0x3a: {  	_ = 	snop  }
0x3b: {  	_ = 	snop  }
0x3c: {  	p2 =	seq.s32 s10, $0x1;
	s10 =	sld [smem:$0x3FB3]  }
0x3d: {  	_ =	shalt  }
0x3e: {  	_ =	shalt  }
0x3f: {  	_ =	shalt  }
0x40: {  	_ =	shalt  }
0x41: {  	_ =	shalt  }
0x42: {  	_ =	shalt  }
0x43: {  	_ =	shalt  }
0x44: {  	_ =	shalt  }
0x45: {  	_ =	shalt  }
0x46: {  	_ =	shalt  }
0x47: {  	_ =	shalt  }
0x48: {  	_ =	shalt  }
0x49: {  	_ =	shalt  }
0x4a: {  	_ =	shalt  }
0x4b: {  	_ =	shalt  }
0x4c: {  	_ =	shalt  }
0x4d: {  	_ =	shalt  }
0x4e: {  	_ =	shalt  }
0x4f: {  	_ =	shalt  }
0x50: {  	_ =	shalt  }
0x51: {  	_ =	shalt  }
0x52: {  	_ =	shalt  }
0x53: {  	_ =	shalt  }
0x54: {  	_ =	shalt  }
0x55: {  	_ =	shalt  }
0x56: {  	_ =	shalt  }
0x57: {  	_ =	shalt  }
0x58: {  	_ =	shalt  }
0x59: {  	_ =	shalt  }
0x5a: {  	_ =	shalt  }
0x5b: {  	_ =	shalt  }
0x5c: {  	_ =	shalt  }
0x5d: {  	_ =	shalt  }
0x5e: {  	_ =	shalt  }
0x5f: {  	_ =	shalt  }
0x60: {  	_ =	shalt  }
0x61: {  	_ =	shalt  }
0x62: {  	_ =	shalt  }
0x63: {  	_ =	shalt  }
0x64: {  	_ =	shalt  }
0x65: {  	_ =	shalt  }
0x66: {  	_ =	shalt  }
0x67: {  	_ =	shalt  }
0x68: {  	_ =	shalt  }
0x69: {  	_ =	shalt  }
0x6a: {  	_ =	shalt  }
0x6b: {  	_ =	shalt  }
0x6c: {  	_ =	shalt  }
0x6d: {  	_ =	shalt  }
0x6e: {  	_ =	shalt  }
0x6f: {  	_ =	shalt  }
0x70: {  	_ =	shalt  }
0x71: {  	_ =	shalt  }
0x72: {  	_ =	shalt  }
0x73: {  	_ =	shalt  }
0x74: {  	_ =	shalt  }
0x75: {  	_ =	shalt  }
0x76: {  	_ =	shalt  }
0x77: {  	_ =	shalt  }
0x78: {  	_ =	shalt  }
0x79: {  	_ =	shalt  }
0x7a: {  	_ =	shalt  }
0x7b: {  	_ =	shalt  }
0x7c: {  	_ =	shalt  }
0x7d: {  	_ =	shalt  }
0x7e: {  	_ =	shalt  }
0x7f: {  	_ =	shalt  }
0x80: {  	_ =	shalt  }
0x81: {  	_ =	shalt  }
0x82: {  	_ =	shalt  }
0x83: {  	_ =	shalt  }
0x84: {  	_ =	shalt  }
0x85: {  	_ =	shalt  }
0x86: {  	_ =	shalt  }
0x87: {  	_ =	shalt  }
.Lfunc_end0:
.L_simem_size_0:
called_computation_lowered:
.L_overlay_start_0:
0x88: {  	s2 =	sld [smem:$0x3FD9]  }
0x89: {  	s3 =	sld [smem:$0x3FFE];
	_ =	sdelay $0x1  }
0x8a: {  	s1 =	srdreg.scid  }
0x8b: {  	s0 =	sand.u32 $0x1, s1  }
0x8c: {  	s17 =	sshll.u32 s0, $0xA;
	s2 =	sadd.s32 s3, s2  }
0x8d: {  	s2 =	sadd.s32 s2, s17  }
0x8e: {  	[smem:$0x3FBF] =	sst s2  }
0x8f: {  	_ = 	snop  }
0x90: {  	s2 =	sld [smem:$0x3FC1];
	(tm) =	ssettm $0x1  }
0x91: {  	s18 =	sld [smem:$0x3FFB];
	_ =	sdelay $0x3  }
0x92: {  	_ =	strace s18  }
0x93: {  	s3 =	sld [smem:$0x3FFC];
	_ =	sdelay $0x3  }
0x94: {  	_ =	strace s3  }
0x95: {  	s3 =	sld [smem:$0x3FFD];
	_ =	sdelay $0x3  }
0x96: {  	_ =	strace s3  }
0x97: {  	_ =	strace $0x8FFFFFFF  }
0x98: {  	s19 =	sld [smem:$0x3FDB];
	_ =	sdelay $0x1  }
0x99: {  	s4 =	simm.s32 $_scs_section_size  }
0x9a: {  	s5 =	simm.s32 $_size__tile_overlayer_lowered;
	s6 =	simm.s32 $_tile_overlayer_lowered  }
0x9b: {  	s22 =	simm.s32 $0x1BFF;
	s21 =	sshll.u32 s6, $0x1;
	s3 =	sadd.s32 s4, s19  }
0x9c: {  	s7 =	simm.s32 $0x0;
	s20 =	sshll.u32 s5, $0x1;
	s5 =	sadd.s32 s21, s3  }
0x9d: {  	[timem:s7], [sflag:s22] =	dma.local [hbm:s5], s20  }
0x9e: {  	_ =	swait.ge [sflag:s22], s20  }
0x9f: {  	s4 =	ssub.s32 $0x0, s20;
	[sflag:s22] =	ssyncset.done $0x0  }
0xa0: {  	[sflag:s22] =	ssyncadd.s32 s4;
	_ =	sdelay $0x1  }
0xa1: {  	s23 =	simm.s32 $0x1B8B  }
0xa2: {  	_ =	swait.ge [sflag:s23], $0x1  }
0xa3: {  	[sflag:s23] =	ssyncset.done $0x0  }
0xa4: {  	s25 =	simm.s32 $0x1B8E;
	s24 =	sld [smem:$0x3FFE];
	[sflag:s23] =	ssyncadd.s32 $0xFFFFFFFF  }
0xa5: {  	s26 =	simm.s32 $execute0_lowered;
	[smem:$0x3FD2] =	sst s25  }
0xa6: {  	s5 =	sshll.u32 s26, $0x1;
	_ =	strace $0x80000046;
	[dreg:$0x1] =	wrdreg $0xFFFFFFFF  }
0xa7: {  	s28 =	simm.s32 $_size_execute0_lowered;
	s3 =	sadd.s32 s3, s5;
	[dreg:$0x0] =	wrdreg $0x0  }
0xa8: {  	s5 =	sshll.u32 s28, $0x1;
	[dreg:$0x2] =	wrdreg s3  }
0xa9: {  	[dreg:$0x3] =	wrdreg s5  }
0xaa: {  	[dreg:$0x4] =	wrdreg $0xC0  }
0xab: {  	_ =	task [dreg:s7], $0x5FFFF  }
0xac: {  	[dreg:$0x1] =	wrdreg $0xFFFFFFFF  }
0xad: {  	[dreg:$0x0] =	wrdreg $0x60  }
0xae: {  	[dreg:$0x2] =	wrdreg s2  }
0xaf: {  	[dreg:$0x3] =	wrdreg s24  }
0xb0: {  	[dreg:$0x4] =	wrdreg $0x9  }
0xb1: {  	_ =	task.clear_ibuf [dreg:s7], $0x5FFFF;
	_ =	strace $0x90000046  }
0xb2: {  	s29 =	simm.s32 $0x9;
	_ =	strace $0x80000048  }
0xb3: {  	_ =	swait.ge [sflag:s29], $0x1  }
0xb4: {  	[sflag:s29] =	ssyncadd.s32 $0xFFFFFFFF  }
0xb5: {  	_ =	strace $0x90000048  }
0xb6: {  	_ =	sfence  }
0xb7: {  	s30 =	sld [smem:$0x0];
	_ =	sdelay $0x2  }
0xb8: {  	s31 =	sshll.u32 s1, $0xD;
	s1 =	sshrl.u32 s1, $0x2  }
0xb9: {  	s3 =	sand.u32 $0x4000, s31;
	s1 =	sadd.s32 s1, s30  }
0xba: {  	s0 =	sor.u32 s3, s0;
	s1 =	sshll.u32 s1, $0x11  }
0xbb: {  	s0 =	sor.u32 s1, s0  }
0xbc: {  	s0 =	sadd.s32 $0x8F2B, s0  }
0xbd: {  	[sflag:s0] =	ssyncadd.remote.s32 $0x1  }
0xbe: {  	_ =	sfence.sel $0xFFFF  }
0xbf: {  	[dreg:$0x0] =	wrdreg $0xFFFFFFFF;
	(pc) =	sbr.abs _section_cstart, $3  }
0xc0: {  	[dreg:$0x1] =	wrdreg $0xFFFFFFFF  }
0xc1: {  	_ =	task.clear_ibuf [dreg:s7], $0x2FFFF;
	_ =	strace $0x9FFFFFFF  }
0xc2: {  	(tm) =	ssettm $0x7FFFFFFF  }
0xc3: {  	_ =	shalt  }
tec
execute0_lowered:
.L_overlay_start_1:
0x0: {  	(tag) =	ssettag $0x1  }
0x1: {  	s2 =	rddreg [dreg:$0x0]  }
0x2: {  	s4 =	rddreg [dreg:$0x1];
	s3 =	srdreg.scid  }
0x3: {  	s0 =	rddreg [dreg:$0x2];
	s1 =	stileid.u32;
	s9 =	simm.s32 $0x1  }
0x4: {  	s11 =	simm.s32 $0x8000;
	s12 =	simm.s32 $0x0;
	s5 =	sand.u32 $0x1, s3  }
0x5: {  	s3 =	simm.s32 $0x0;
	s6 =	sshll.u32 s1, $0x6;
	s7 =	sshll.u32 s5, $0x5  }
0x6: {  	[smem:$0x7FF] =	sst s3;
	s5 =	ssub.s32 $0x2, s5;
	s7 =	sor.u32 s7, s6  }
0x7: {  	_ =	strace $0x80000047;
	s8 =	sshrl.u32 s5, $0x1;
	s6 =	sshll.u32 s7, $0x7  }
0x8: {  	s8 =	ssub.s32 s5, s8;
	s10 =	sadd.s32 $0x20, s7;
	v0 =	vmov s7;
	s7 =	simm.s32 $0x80  }
0x9: {  	s6 =	sadd.s32 s6, s4;
	s4 =	sadd.s32 $0x10, s2;
	v1 =	vmov s10;
	s10 =	simm.s32 $0x4000  }
0xa: {  	v2 =	vimm.f32 $0.0e+00;
	v3 =	vimm.f32 $1.000000000e+00;
	s5 =	sadd.s32 $0x1400, s6;
	s6 =	smax.u32 s8, $0x1;
	s8 =	simm.s32 $0x100  }
.LBB2_1:
0xb: {  	[tilespmem:s3], [sflag:$0x1] =	stream.strided.gather [hbm4b:s2+s7], $0x4000, s8, s7, $0x38;
	[tilespmem:$0x10000] =	vst v63  }
0xc: {  	_ =	swait.ge [sflag:s9], $0x4000  }
0xd: {  	[sflag:s9] =	ssyncset.done $0x0  }
0xe: {  	[sflag:s9] =	ssyncadd.s32 $0xFFFFC000  }
0xf: {  	[tilespmem:s10], [sflag:$0x1] =	stream.strided.gather [hbm4b:s4+s7], $0x4000, s8, s7, $0x38;
	[tilespmem:$0x10000] =	vst v63  }
0x10: {  	_ =	swait.ge [sflag:s9], $0x4000  }
0x11: {  	s13 =	simm.s32 $0xFFFF8000;
	s14 =	simm.s32 $0x0;
	[sflag:s9] =	ssyncset.done $0x0  }
0x12: {  	s15 =	simm.s32 $0x0;
	s16 =	simm.s32 $0x0;
	[sflag:s9] =	ssyncadd.s32 $0xFFFFC000  }
.LBB2_2:
0x13: {  	s17 =	sadd.s32 $0x8000, s13  }
0x14: {  	s18 =	sand.u32 $0x380, s16;
	s17 =	sand.u32 $0x6000, s17  }
0x15: {  	s17 =	sor.u32 s18, s17  }
0x16: {  	[tilespmem:s17+$0x8000] =	vst v2  }
0x17: {  	[tilespmem:s17+$0x8010] =	vst v2  }
0x18: {  	[tilespmem:s17+$0x8020] =	vst v2  }
0x19: {  	[tilespmem:s17+$0x8030] =	vst v2  }
0x1a: {  	[tilespmem:s17+$0x8040] =	vst v2  }
0x1b: {  	[tilespmem:s17+$0x8050] =	vst v2  }
0x1c: {  	[tilespmem:s17+$0x8060] =	vst v2  }
0x1d: {  	[tilespmem:s17+$0x8070] =	vst v2  }
0x1e: {  	[tilespmem:s17+$0x8400] =	vst v2  }
0x1f: {  	[tilespmem:s17+$0x8410] =	vst v2  }
0x20: {  	[tilespmem:s17+$0x8420] =	vst v2  }
0x21: {  	[tilespmem:s17+$0x8430] =	vst v2  }
0x22: {  	[tilespmem:s17+$0x8440] =	vst v2  }
0x23: {  	[tilespmem:s17+$0x8450] =	vst v2  }
0x24: {  	[tilespmem:s17+$0x8460] =	vst v2  }
0x25: {  	[tilespmem:s17+$0x8470] =	vst v2  }
0x26: {  	[tilespmem:s17+$0x8800] =	vst v2  }
0x27: {  	[tilespmem:s17+$0x8810] =	vst v2  }
0x28: {  	[tilespmem:s17+$0x8820] =	vst v2  }
0x29: {  	[tilespmem:s17+$0x8830] =	vst v2  }
0x2a: {  	[tilespmem:s17+$0x8840] =	vst v2  }
0x2b: {  	[tilespmem:s17+$0x8850] =	vst v2  }
0x2c: {  	[tilespmem:s17+$0x8860] =	vst v2  }
0x2d: {  	[tilespmem:s17+$0x8870] =	vst v2  }
0x2e: {  	[tilespmem:s17+$0x8C00] =	vst v2  }
0x2f: {  	[tilespmem:s17+$0x8C10] =	vst v2  }
0x30: {  	[tilespmem:s17+$0x8C20] =	vst v2  }
0x31: {  	[tilespmem:s17+$0x8C30] =	vst v2  }
0x32: {  	[tilespmem:s17+$0x8C40] =	vst v2  }
0x33: {  	[tilespmem:s17+$0x8C50] =	vst v2  }
0x34: {  	[tilespmem:s17+$0x8C60] =	vst v2  }
0x35: {  	[tilespmem:s17+$0x8C70] =	vst v2  }
0x36: {  	[tilespmem:s17+$0x9000] =	vst v2  }
0x37: {  	[tilespmem:s17+$0x9010] =	vst v2  }
0x38: {  	[tilespmem:s17+$0x9020] =	vst v2  }
0x39: {  	[tilespmem:s17+$0x9030] =	vst v2  }
0x3a: {  	[tilespmem:s17+$0x9040] =	vst v2  }
0x3b: {  	[tilespmem:s17+$0x9050] =	vst v2  }
0x3c: {  	[tilespmem:s17+$0x9060] =	vst v2  }
0x3d: {  	[tilespmem:s17+$0x9070] =	vst v2  }
0x3e: {  	[tilespmem:s17+$0x9400] =	vst v2  }
0x3f: {  	[tilespmem:s17+$0x9410] =	vst v2  }
0x40: {  	[tilespmem:s17+$0x9420] =	vst v2  }
0x41: {  	[tilespmem:s17+$0x9430] =	vst v2  }
0x42: {  	[tilespmem:s17+$0x9440] =	vst v2  }
0x43: {  	[tilespmem:s17+$0x9450] =	vst v2  }
0x44: {  	[tilespmem:s17+$0x9460] =	vst v2  }
0x45: {  	[tilespmem:s17+$0x9470] =	vst v2  }
0x46: {  	[tilespmem:s17+$0x9800] =	vst v2  }
0x47: {  	[tilespmem:s17+$0x9810] =	vst v2  }
0x48: {  	[tilespmem:s17+$0x9820] =	vst v2  }
0x49: {  	[tilespmem:s17+$0x9830] =	vst v2  }
0x4a: {  	s22 =	sand.u32 $0x7, s14;
	[tilespmem:s17+$0x9840] =	vst v2  }
0x4b: {  	s18 =	sshll.u32 s22, $0x7;
	[tilespmem:s17+$0x9850] =	vst v2  }
0x4c: {  	s18 =	sadd.s32 s18, s15;
	[tilespmem:s17+$0x9860] =	vst v2  }
0x4d: {  	[tilespmem:s17+$0x9870] =	vst v2;
	s23 =	sor.u32 $0x1C00, s18  }
0x4e: {  	s24 =	sor.u32 $0x1C10, s18;
	[tilespmem:s23+$0x8000] =	vst v2  }
0x4f: {  	s25 =	sor.u32 $0x1C20, s18;
	[tilespmem:s24+$0x8000] =	vst v2  }
0x50: {  	p0 =	sne.s32 s16, $0xF80;
	s26 =	sor.u32 $0x1C30, s18;
	[tilespmem:s25+$0x8000] =	vst v2  }
.Ltmp0:
0x51: {  	s28 =	sor.u32 $0x1C40, s18;
	[tilespmem:s26+$0x8000] =	vst v2;
	(pc) =	sbr.rel @p0 .LBB2_2-.Ltmp0, $4  }
0x52: {  	s29 =	sor.u32 $0x1C50, s18;
	[tilespmem:s28+$0x8000] =	vst v2  }
0x53: {  	s30 =	sor.u32 $0x1C60, s18;
	[tilespmem:s29+$0x8000] =	vst v2  }
0x54: {  	s14 =	sadd.s32 $0x1, s14;
	s31 =	sor.u32 $0x1C70, s18;
	[tilespmem:s30+$0x8000] =	vst v2  }
0x55: {  	s13 =	sadd.s32 $0x400, s13;
	s16 =	sadd.s32 $0x80, s16;
	s15 =	sadd.s32 $0x400, s15;
	[tilespmem:s31+$0x8000] =	vst v2  }
0x56: {  	s13 =	simm.s32 $0x0  }
.LBB2_4:
0x57: {  	s14 =	sshra.s32 s13, $0x2  }
0x58: {  	v4 =	vld [tilespmem:s14+$0x4000]  }
0x59: {  	v5 =	vld [tilespmem:s14+$0x0];
	_ =	sdelay $0x3  }
0x5a: {  	v6 =	vsub.s32 v4, v0  }
0x5b: {  	v7 =	vshll.u32 v5, $0x3;
	v18 =	vshll.u32 v4, $0x7;
	v6 =	vshll.u32 v6, $0xA  }
0x5c: {  	vm0 =	vge.s32 v4, v0;
	v7 =	vand.u32 $0xFFFFFC00, v7;
	v6 =	vand.u32 $0xFFFFE000, v6  }
0x5d: {  	vm1 =	vlt.s32 v4, v1;
	v4 =	vand.u32 $0x380, v18;
	v6 =	vadd.s32 v7, v6  }
0x5e: {  	v5 =	vand.u32 $0x7F, v5;
	vm0 =	vmand vm0, vm1;
	v4 =	vor.u32 v4, v6  }
0x5f: {  	v4 =	vor.u32 v5, v4;
	_ =	sdelay $0x4  }
0x60: {  	[tilespmem:v4+s11+$0x0] =	vst.idx.add.f32.msk vm0, v3  }
0x61: {  	v4 =	vld [tilespmem:s14+$0x4010]  }
0x62: {  	v5 =	vld [tilespmem:s14+$0x10];
	_ =	sdelay $0x3  }
0x63: {  	v19 =	vsub.s32 v4, v0  }
0x64: {  	v20 =	vshll.u32 v5, $0x3;
	v21 =	vshll.u32 v4, $0x7;
	v6 =	vshll.u32 v19, $0xA  }
0x65: {  	vm10 =	vge.s32 v4, v0;
	v7 =	vand.u32 $0xFFFFFC00, v20;
	v6 =	vand.u32 $0xFFFFE000, v6  }
0x66: {  	vm11 =	vlt.s32 v4, v1;
	v4 =	vand.u32 $0x380, v21;
	v6 =	vadd.s32 v7, v6  }
0x67: {  	v5 =	vand.u32 $0x7F, v5;
	vm0 =	vmand vm10, vm11;
	v4 =	vor.u32 v4, v6  }
0x68: {  	v4 =	vor.u32 v5, v4;
	_ =	sdelay $0x4  }
0x69: {  	[tilespmem:v4+s11+$0x0] =	vst.idx.add.f32.msk vm0, v3  }
0x6a: {  	v4 =	vld [tilespmem:s14+$0x4020]  }
0x6b: {  	v5 =	vld [tilespmem:s14+$0x20];
	_ =	sdelay $0x3  }
0x6c: {  	v22 =	vsub.s32 v4, v0  }
0x6d: {  	v23 =	vshll.u32 v5, $0x3;
	v24 =	vshll.u32 v4, $0x7;
	v6 =	vshll.u32 v22, $0xA  }
0x6e: {  	vm12 =	vge.s32 v4, v0;
	v7 =	vand.u32 $0xFFFFFC00, v23;
	v6 =	vand.u32 $0xFFFFE000, v6  }
0x6f: {  	vm13 =	vlt.s32 v4, v1;
	v4 =	vand.u32 $0x380, v24;
	v6 =	vadd.s32 v7, v6  }
0x70: {  	v5 =	vand.u32 $0x7F, v5;
	vm0 =	vmand vm12, vm13;
	v4 =	vor.u32 v4, v6  }
0x71: {  	v4 =	vor.u32 v5, v4;
	_ =	sdelay $0x4  }
0x72: {  	[tilespmem:v4+s11+$0x0] =	vst.idx.add.f32.msk vm0, v3  }
0x73: {  	v4 =	vld [tilespmem:s14+$0x4030]  }
0x74: {  	v5 =	vld [tilespmem:s14+$0x30];
	_ =	sdelay $0x3  }
0x75: {  	v25 =	vsub.s32 v4, v0  }
0x76: {  	v26 =	vshll.u32 v5, $0x3;
	v27 =	vshll.u32 v4, $0x7;
	v6 =	vshll.u32 v25, $0xA  }
0x77: {  	vm14 =	vge.s32 v4, v0;
	v7 =	vand.u32 $0xFFFFFC00, v26;
	v6 =	vand.u32 $0xFFFFE000, v6  }
0x78: {  	vm15 =	vlt.s32 v4, v1;
	v4 =	vand.u32 $0x380, v27;
	v6 =	vadd.s32 v7, v6  }
0x79: {  	v5 =	vand.u32 $0x7F, v5;
	vm0 =	vmand vm14, vm15;
	v4 =	vor.u32 v4, v6  }
0x7a: {  	v4 =	vor.u32 v5, v4;
	_ =	sdelay $0x4  }
0x7b: {  	[tilespmem:v4+s11+$0x0] =	vst.idx.add.f32.msk vm0, v3  }
0x7c: {  	v4 =	vld [tilespmem:s14+$0x4040]  }
0x7d: {  	v5 =	vld [tilespmem:s14+$0x40];
	_ =	sdelay $0x3  }
0x7e: {  	v28 =	vsub.s32 v4, v0  }
0x7f: {  	v29 =	vshll.u32 v5, $0x3;
	v30 =	vshll.u32 v4, $0x7;
	v6 =	vshll.u32 v28, $0xA  }
0x80: {  	vm4 =	vge.s32 v4, v0;
	v7 =	vand.u32 $0xFFFFFC00, v29;
	v6 =	vand.u32 $0xFFFFE000, v6  }
0x81: {  	vm5 =	vlt.s32 v4, v1;
	v4 =	vand.u32 $0x380, v30;
	v6 =	vadd.s32 v7, v6  }
0x82: {  	v5 =	vand.u32 $0x7F, v5;
	vm0 =	vmand vm4, vm5;
	v4 =	vor.u32 v4, v6  }
0x83: {  	v4 =	vor.u32 v5, v4;
	_ =	sdelay $0x4  }
0x84: {  	[tilespmem:v4+s11+$0x0] =	vst.idx.add.f32.msk vm0, v3  }
0x85: {  	v4 =	vld [tilespmem:s14+$0x4050]  }
0x86: {  	v5 =	vld [tilespmem:s14+$0x50];
	_ =	sdelay $0x3  }
0x87: {  	v31 =	vsub.s32 v4, v0  }
0x88: {  	v32 =	vshll.u32 v5, $0x3;
	v33 =	vshll.u32 v4, $0x7;
	v6 =	vshll.u32 v31, $0xA  }
0x89: {  	vm6 =	vge.s32 v4, v0;
	v7 =	vand.u32 $0xFFFFFC00, v32;
	v6 =	vand.u32 $0xFFFFE000, v6  }
0x8a: {  	vm7 =	vlt.s32 v4, v1;
	v4 =	vand.u32 $0x380, v33;
	v6 =	vadd.s32 v7, v6  }
0x8b: {  	v5 =	vand.u32 $0x7F, v5;
	vm0 =	vmand vm6, vm7;
	v4 =	vor.u32 v4, v6  }
0x8c: {  	v4 =	vor.u32 v5, v4;
	_ =	sdelay $0x4  }
0x8d: {  	[tilespmem:v4+s11+$0x0] =	vst.idx.add.f32.msk vm0, v3  }
0x8e: {  	v4 =	vld [tilespmem:s14+$0x4060]  }
0x8f: {  	v5 =	vld [tilespmem:s14+$0x60];
	_ =	sdelay $0x3  }
0x90: {  	v34 =	vsub.s32 v4, v0  }
0x91: {  	v35 =	vshll.u32 v5, $0x3;
	v36 =	vshll.u32 v4, $0x7;
	v6 =	vshll.u32 v34, $0xA  }
0x92: {  	vm8 =	vge.s32 v4, v0;
	v7 =	vand.u32 $0xFFFFFC00, v35;
	v6 =	vand.u32 $0xFFFFE000, v6  }
0x93: {  	vm9 =	vlt.s32 v4, v1;
	v4 =	vand.u32 $0x380, v36;
	v6 =	vadd.s32 v7, v6  }
0x94: {  	v5 =	vand.u32 $0x7F, v5;
	vm0 =	vmand vm8, vm9;
	v4 =	vor.u32 v4, v6  }
0x95: {  	v4 =	vor.u32 v5, v4;
	_ =	sdelay $0x4  }
0x96: {  	[tilespmem:v4+s11+$0x0] =	vst.idx.add.f32.msk vm0, v3  }
0x97: {  	v4 =	vld [tilespmem:s14+$0x4070]  }
0x98: {  	v5 =	vld [tilespmem:s14+$0x70];
	_ =	sdelay $0x3  }
0x99: {  	v37 =	vsub.s32 v4, v0  }
0x9a: {  	v38 =	vshll.u32 v5, $0x3;
	v39 =	vshll.u32 v4, $0x7;
	v6 =	vshll.u32 v37, $0xA  }
0x9b: {  	vm10 =	vge.s32 v4, v0;
	v7 =	vand.u32 $0xFFFFFC00, v38;
	v6 =	vand.u32 $0xFFFFE000, v6  }
0x9c: {  	vm11 =	vlt.s32 v4, v1;
	v4 =	vand.u32 $0x380, v39;
	v6 =	vadd.s32 v7, v6  }
0x9d: {  	v5 =	vand.u32 $0x7F, v5;
	vm0 =	vmand vm10, vm11;
	v4 =	vor.u32 v4, v6  }
0x9e: {  	v4 =	vor.u32 v5, v4;
	_ =	sdelay $0x4  }
0x9f: {  	[tilespmem:v4+s11+$0x0] =	vst.idx.add.f32.msk vm0, v3  }
0xa0: {  	v4 =	vld [tilespmem:s14+$0x4080]  }
0xa1: {  	v5 =	vld [tilespmem:s14+$0x80];
	_ =	sdelay $0x3  }
0xa2: {  	v40 =	vsub.s32 v4, v0  }
0xa3: {  	v41 =	vshll.u32 v5, $0x3;
	v42 =	vshll.u32 v4, $0x7;
	v6 =	vshll.u32 v40, $0xA  }
0xa4: {  	vm12 =	vge.s32 v4, v0;
	v7 =	vand.u32 $0xFFFFFC00, v41;
	v6 =	vand.u32 $0xFFFFE000, v6  }
0xa5: {  	vm13 =	vlt.s32 v4, v1;
	v4 =	vand.u32 $0x380, v42;
	v6 =	vadd.s32 v7, v6  }
0xa6: {  	v5 =	vand.u32 $0x7F, v5;
	vm0 =	vmand vm12, vm13;
	v4 =	vor.u32 v4, v6  }
0xa7: {  	v4 =	vor.u32 v5, v4;
	_ =	sdelay $0x4  }
0xa8: {  	[tilespmem:v4+s11+$0x0] =	vst.idx.add.f32.msk vm0, v3  }
0xa9: {  	v4 =	vld [tilespmem:s14+$0x4090]  }
0xaa: {  	v5 =	vld [tilespmem:s14+$0x90];
	_ =	sdelay $0x3  }
0xab: {  	v43 =	vsub.s32 v4, v0  }
0xac: {  	v44 =	vshll.u32 v5, $0x3;
	v45 =	vshll.u32 v4, $0x7;
	v6 =	vshll.u32 v43, $0xA  }
0xad: {  	vm14 =	vge.s32 v4, v0;
	v7 =	vand.u32 $0xFFFFFC00, v44;
	v6 =	vand.u32 $0xFFFFE000, v6  }
0xae: {  	vm15 =	vlt.s32 v4, v1;
	v4 =	vand.u32 $0x380, v45;
	v6 =	vadd.s32 v7, v6  }
0xaf: {  	v5 =	vand.u32 $0x7F, v5;
	vm0 =	vmand vm14, vm15;
	v4 =	vor.u32 v4, v6  }
0xb0: {  	v4 =	vor.u32 v5, v4;
	_ =	sdelay $0x4  }
0xb1: {  	[tilespmem:v4+s11+$0x0] =	vst.idx.add.f32.msk vm0, v3  }
0xb2: {  	v4 =	vld [tilespmem:s14+$0x40A0]  }
0xb3: {  	v5 =	vld [tilespmem:s14+$0xA0];
	_ =	sdelay $0x3  }
0xb4: {  	v46 =	vsub.s32 v4, v0  }
0xb5: {  	v47 =	vshll.u32 v5, $0x3;
	v48 =	vshll.u32 v4, $0x7;
	v6 =	vshll.u32 v46, $0xA  }
0xb6: {  	vm4 =	vge.s32 v4, v0;
	v7 =	vand.u32 $0xFFFFFC00, v47;
	v6 =	vand.u32 $0xFFFFE000, v6  }
0xb7: {  	vm5 =	vlt.s32 v4, v1;
	v4 =	vand.u32 $0x380, v48;
	v6 =	vadd.s32 v7, v6  }
0xb8: {  	v5 =	vand.u32 $0x7F, v5;
	vm0 =	vmand vm4, vm5;
	v4 =	vor.u32 v4, v6  }
0xb9: {  	v4 =	vor.u32 v5, v4;
	_ =	sdelay $0x4  }
0xba: {  	[tilespmem:v4+s11+$0x0] =	vst.idx.add.f32.msk vm0, v3  }
0xbb: {  	v4 =	vld [tilespmem:s14+$0x40B0]  }
0xbc: {  	v5 =	vld [tilespmem:s14+$0xB0];
	_ =	sdelay $0x3  }
0xbd: {  	v49 =	vsub.s32 v4, v0  }
0xbe: {  	v50 =	vshll.u32 v5, $0x3;
	v51 =	vshll.u32 v4, $0x7;
	v6 =	vshll.u32 v49, $0xA  }
0xbf: {  	vm6 =	vge.s32 v4, v0;
	v7 =	vand.u32 $0xFFFFFC00, v50;
	v6 =	vand.u32 $0xFFFFE000, v6  }
0xc0: {  	vm7 =	vlt.s32 v4, v1;
	v4 =	vand.u32 $0x380, v51;
	v6 =	vadd.s32 v7, v6  }
0xc1: {  	v5 =	vand.u32 $0x7F, v5;
	vm0 =	vmand vm6, vm7;
	v4 =	vor.u32 v4, v6  }
0xc2: {  	v4 =	vor.u32 v5, v4;
	_ =	sdelay $0x4  }
0xc3: {  	[tilespmem:v4+s11+$0x0] =	vst.idx.add.f32.msk vm0, v3  }
0xc4: {  	v4 =	vld [tilespmem:s14+$0x40C0]  }
0xc5: {  	v5 =	vld [tilespmem:s14+$0xC0];
	_ =	sdelay $0x3  }
0xc6: {  	v52 =	vsub.s32 v4, v0  }
0xc7: {  	v53 =	vshll.u32 v5, $0x3;
	v54 =	vshll.u32 v4, $0x7;
	v6 =	vshll.u32 v52, $0xA  }
0xc8: {  	vm8 =	vge.s32 v4, v0;
	v7 =	vand.u32 $0xFFFFFC00, v53;
	v6 =	vand.u32 $0xFFFFE000, v6  }
0xc9: {  	vm9 =	vlt.s32 v4, v1;
	v4 =	vand.u32 $0x380, v54;
	v6 =	vadd.s32 v7, v6  }
0xca: {  	v5 =	vand.u32 $0x7F, v5;
	vm0 =	vmand vm8, vm9;
	v4 =	vor.u32 v4, v6  }
0xcb: {  	v4 =	vor.u32 v5, v4;
	_ =	sdelay $0x4  }
0xcc: {  	[tilespmem:v4+s11+$0x0] =	vst.idx.add.f32.msk vm0, v3  }
0xcd: {  	v4 =	vld [tilespmem:s14+$0x40D0]  }
0xce: {  	v5 =	vld [tilespmem:s14+$0xD0];
	_ =	sdelay $0x3  }
0xcf: {  	v55 =	vsub.s32 v4, v0  }
0xd0: {  	v56 =	vshll.u32 v5, $0x3;
	v57 =	vshll.u32 v4, $0x7;
	v6 =	vshll.u32 v55, $0xA  }
0xd1: {  	vm10 =	vge.s32 v4, v0;
	v7 =	vand.u32 $0xFFFFFC00, v56;
	v6 =	vand.u32 $0xFFFFE000, v6  }
0xd2: {  	vm11 =	vlt.s32 v4, v1;
	v4 =	vand.u32 $0x380, v57;
	v6 =	vadd.s32 v7, v6  }
0xd3: {  	v5 =	vand.u32 $0x7F, v5;
	vm0 =	vmand vm10, vm11;
	v4 =	vor.u32 v4, v6  }
0xd4: {  	v4 =	vor.u32 v5, v4;
	_ =	sdelay $0x4  }
0xd5: {  	[tilespmem:v4+s11+$0x0] =	vst.idx.add.f32.msk vm0, v3  }
0xd6: {  	v4 =	vld [tilespmem:s14+$0x40E0]  }
0xd7: {  	v5 =	vld [tilespmem:s14+$0xE0];
	_ =	sdelay $0x3  }
0xd8: {  	v58 =	vsub.s32 v4, v0  }
0xd9: {  	v59 =	vshll.u32 v5, $0x3;
	v60 =	vshll.u32 v4, $0x7;
	v6 =	vshll.u32 v58, $0xA  }
0xda: {  	vm12 =	vge.s32 v4, v0;
	v7 =	vand.u32 $0xFFFFFC00, v59;
	v6 =	vand.u32 $0xFFFFE000, v6  }
0xdb: {  	vm13 =	vlt.s32 v4, v1;
	v4 =	vand.u32 $0x380, v60;
	v6 =	vadd.s32 v7, v6  }
0xdc: {  	v5 =	vand.u32 $0x7F, v5;
	vm0 =	vmand vm12, vm13;
	v4 =	vor.u32 v4, v6  }
0xdd: {  	v4 =	vor.u32 v5, v4;
	_ =	sdelay $0x4  }
0xde: {  	[tilespmem:v4+s11+$0x0] =	vst.idx.add.f32.msk vm0, v3  }
0xdf: {  	v4 =	vld [tilespmem:s14+$0x40F0]  }
0xe0: {  	v5 =	vld [tilespmem:s14+$0xF0];
	_ =	sdelay $0x3  }
0xe1: {  	v61 =	vsub.s32 v4, v0  }
0xe2: {  	v62 =	vshll.u32 v5, $0x3;
	v63 =	vshll.u32 v4, $0x7;
	v6 =	vshll.u32 v61, $0xA  }
0xe3: {  	vm14 =	vge.s32 v4, v0;
	v7 =	vand.u32 $0xFFFFFC00, v62;
	v6 =	vand.u32 $0xFFFFE000, v6  }
0xe4: {  	vm15 =	vlt.s32 v4, v1;
	v4 =	vand.u32 $0x380, v63;
	v6 =	vadd.s32 v7, v6  }
0xe5: {  	v5 =	vand.u32 $0x7F, v5;
	vm0 =	vmand vm14, vm15;
	v4 =	vor.u32 v4, v6  }
0xe6: {  	p0 =	sne.s32 s13, $0xFC00;
	v4 =	vor.u32 v5, v4  }
.Ltmp1:
0xe7: {  	_ = 	snop;
	(pc) =	sbr.rel @p0 .LBB2_4-.Ltmp1, $2  }
0xe8: {  	_ =	sdelay $0x2  }
0xe9: {  	s13 =	sadd.s32 $0x400, s13;
	[tilespmem:v4+s11+$0x0] =	vst.idx.add.f32.msk vm0, v3  }
0xea: {  	s12 =	sadd.s32 $0x1, s12  }
0xeb: {  	p0 =	sne.s32 s12, s6  }
.Ltmp2:
0xec: {  	_ = 	snop;
	(pc) =	sbr.rel @p0 .LBB2_1-.Ltmp2, $4  }
0xed: {  	[hbm4b:s5+s3] =	stream.linear.scatter [tilespmem:s11], [sflag:$0x1], $0x8000, $0x38;
	[tilespmem:$0x10000] =	vst v63  }
0xee: {  	_ =	swait.ge [sflag:s9], $0x8000  }
0xef: {  	[sflag:s9] =	ssyncset.done $0x0  }
0xf0: {  	[sflag:s9] =	ssyncadd.s32 $0xFFFF8000  }
0xf1: {  	_ =	sfence.sel $0x180000  }
0xf2: {  	[bflag:$0x0] =	sbarrier.arrive $0xFFFF  }
0xf3: {  	p0 =	sne.s32 s1, $0x0;
	_ =	strace $0x90000047  }
0xf4: {  	s0 =	sadd.s32 @!p0 $0x100000, s0;
	[bflag:$0x2] =	sbarrier.arrive $0xFFFF  }
0xf5: {  	[sflag:s0] =	ssyncadd.tile.s32 @!p0 $0x1;
	_ =	shalt  }
.Lfunc_end2:
_tile_overlayer_lowered:
.L_overlay_start_2:
0xf6: {  	(tag) =	ssettag $0x2  }
0xf7: {  	s0 =	rddreg [dreg:$0x0];
	s2 =	stileid.u32  }
0xf8: {  	s1 =	rddreg [dreg:$0x1];
	p0 =	sne.s32 s2, $0x0  }
0xf9: {  	s3 =	rddreg [dreg:$0x2];
	[bflag:$0x3] =	sbarrier.arrive $0xFFFF;
	s2 =	simm.s32 @!p0 $0x1C01  }
0xfa: {  	[timem:s3], [sflag:s2] =	dma.local @!p0 [hbm:s0], s1  }
0xfb: {  	s0 =	simm.s32 @!p0 $0x1  }
0xfc: {  	_ =	swait.ge @!p0 [sflag:s0], s1  }
0xfd: {  	s1 =	ssub.s32 @!p0 $0x0, s1;
	[sflag:s0] =	ssyncset.done @!p0 $0x0  }
0xfe: {  	[sflag:s0] =	ssyncadd.s32 @!p0 s1  }
0xff: {  	[bflag:$0x3] =	sbarrier.arrive $0xFFFF  }
0x100: {  	_ =	shalt  }

</sc_bundles>
